<compile_context>
chip_gen: v7x
topology: tpu7x:2x2x1
jax: 0.10.2.dev20260603
libtpu: 0.0.44.dev20260713+nightly
codegen_flags: <defaults>
</compile_context>

<pallas_src>
import functools

import jax
import jax.numpy as jnp
from jax import lax
from jax.experimental import pallas as pl
from jax.experimental.pallas import tpu as pltpu
from jax.experimental.pallas import tpu_sc as plsc

B, S, H, I = 4, 2048, 768, 3072
N = B * S
NC, NS = 2, 16
NW = NC * NS
ROWS_PER_W = N // NW
CHUNK = 64
NCHUNK = ROWS_PER_W // CHUNK

TBLK = 1024
NBLK = N // TBLK
NPOS = S // TBLK


def _sc_gather(table, idx3):
    mesh = plsc.VectorSubcoreMesh(core_axis_name="c", subcore_axis_name="s")

    @functools.partial(
        pl.kernel,
        mesh=mesh,
        out_type=jax.ShapeDtypeStruct((N, H), jnp.float32),
        scratch_types=[
            pltpu.VMEM((NCHUNK, CHUNK), jnp.int32),
            pltpu.VMEM((CHUNK, H), jnp.float32),
            pltpu.VMEM((CHUNK, H), jnp.float32),
            pltpu.SemaphoreType.DMA,
            pltpu.SemaphoreType.DMA,
        ],
    )
    def k(table_hbm, idx_hbm, out_hbm, idx_v, rows0, rows1, sem0, sem1):
        wid = lax.axis_index("s") * NC + lax.axis_index("c")
        base = wid * ROWS_PER_W
        pltpu.sync_copy(idx_hbm.at[wid], idx_v)
        bufs = (rows0, rows1)
        sems = (sem0, sem1)
        handles = [None] * NCHUNK
        handles[0] = pltpu.async_copy(table_hbm.at[idx_v.at[0]], bufs[0], sems[0])
        for c in range(NCHUNK):
            if c + 1 < NCHUNK:
                handles[c + 1] = pltpu.async_copy(
                    table_hbm.at[idx_v.at[c + 1]], bufs[(c + 1) % 2], sems[(c + 1) % 2])
            handles[c].wait()
            pltpu.sync_copy(bufs[c % 2], out_hbm.at[pl.ds(base + c * CHUNK, CHUNK)])

    return k(table, idx3)


def _ln_blk(x, g, b):
    m = jnp.mean(x, axis=-1, keepdims=True)
    v = jnp.mean((x - m) ** 2, axis=-1, keepdims=True)
    return (x - m) * lax.rsqrt(v + 1e-12) * g + b


def _tc_body(xg, tt, pos, tok, ln0g, ln0b,
             Wi0, bi0, Wo0, bo0, g0, b0,
             Wi1, bi1, Wo1, bo1, g1, b1, out):
    ttv = tt[...].astype(jnp.float32)
    tok0 = tok[0:1, :]
    tok1 = tok[1:2, :]
    x = xg[...] + tok0 + ttv * (tok1[...] - tok0) + pos[...].astype(jnp.float32)
    x = _ln_blk(x, ln0g[...], ln0b[...])
    for (Wi, bi, Wo, bo, g, b) in ((Wi0, bi0, Wo0, bo0, g0, b0),
                                   (Wi1, bi1, Wo1, bo1, g1, b1)):
        y = jnp.dot(x, Wi[...], preferred_element_type=jnp.float32) + bi[...]
        h = jax.nn.gelu(y.astype(jnp.bfloat16))
        o = lax.dot_general(h, Wo[...], (((1,), (0,)), ((), ())),
                            preferred_element_type=jnp.float32) + bo[...]
        x = _ln_blk(o + x, g[...], b[...])
    out[...] = x


def _row(v):
    return v.reshape(1, -1)


def kernel(input_ids, token_type_ids, word_emb, tok_emb, pos_emb, ln0_g, ln0_b,
           l0_Wi, l0_bi, l0_Wo, l0_bo, l0_g, l0_b,
           l1_Wi, l1_bi, l1_Wo, l1_bo, l1_g, l1_b):
    ids = input_ids.reshape(-1).astype(jnp.int32).reshape(NW, NCHUNK, CHUNK)
    gathered = _sc_gather(word_emb, ids)
    tt = token_type_ids.astype(jnp.int32).reshape(N, 1)

    whole = lambda shape: pl.BlockSpec(shape, lambda i: (0, 0))
    in_specs = [
        pl.BlockSpec((TBLK, H), lambda i: (i, 0)),
        pl.BlockSpec((TBLK, 1), lambda i: (i, 0)),
        pl.BlockSpec((TBLK, H), lambda i: (i % NPOS, 0)),
        whole((2, H)),
        whole((1, H)), whole((1, H)),
        whole((H, I)), whole((1, I)), whole((I, H)), whole((1, H)),
        whole((1, H)), whole((1, H)),
        whole((H, I)), whole((1, I)), whole((I, H)), whole((1, H)),
        whole((1, H)), whole((1, H)),
    ]
    out = pl.pallas_call(
        _tc_body,
        grid=(NBLK,),
        in_specs=in_specs,
        out_specs=pl.BlockSpec((TBLK, H), lambda i: (i, 0)),
        out_shape=jax.ShapeDtypeStruct((N, H), jnp.float32),
        compiler_params=pltpu.CompilerParams(
            dimension_semantics=("arbitrary",),
            vmem_limit_bytes=64 * 1024 * 1024,
        ),
    )(gathered, tt, pos_emb.astype(jnp.bfloat16), tok_emb, _row(ln0_g), _row(ln0_b),
      l0_Wi, _row(l0_bi), l0_Wo, _row(l0_bo), _row(l0_g), _row(l0_b),
      l1_Wi, _row(l1_bi), l1_Wo, _row(l1_bo), _row(l1_g), _row(l1_b))
    return out.reshape(B, S, H)

# --- scband reference (transcript-rebuilt; emitter-appended) ---
"""Pipeline reference for scband-bert-model-layer-no-attn-14860586844585 (READ-ONLY COPY).

The authoritative reference and input builder live on the scoring server;
editing this copy changes nothing except your own understanding.
"""

import jax, jax.numpy as jnp
import numpy as np

B, S, H, I, V, TT, L = 4, 2048, 768, 3072, 100000, 2, 2

def _ln(x, g, b):
    m = jnp.mean(x, axis=-1, keepdims=True)
    v = jnp.var(x, axis=-1, keepdims=True)
    return (x - m) / jnp.sqrt(v + 1e-12) * g + b

def setup_inputs(seed: int = 0) -> dict:
    key = jax.random.key(seed)
    ks = jax.random.split(key, 4 + 2 * L)
    inp = {}
    inp["input_ids"] = jax.random.randint(ks[0], (B, S), 0, V)
    inp["token_type_ids"] = jax.random.randint(ks[1], (B, S), 0, TT)
    inp["word_emb"] = jax.random.normal(ks[2], (V, H), dtype=jnp.float32) * 0.02
    inp["tok_emb"] = jax.random.normal(ks[3], (TT, H), dtype=jnp.float32) * 0.02
    inp["pos_emb"] = jax.random.normal(jax.random.fold_in(key, 100), (S, H), dtype=jnp.float32) * 0.02
    inp["ln0_g"] = jnp.ones((H,), dtype=jnp.float32)
    inp["ln0_b"] = jnp.zeros((H,), dtype=jnp.float32)
    for l in range(L):
        inp[f"l{l}_Wi"] = jax.random.normal(ks[4 + 2 * l], (H, I), dtype=jnp.float32) * 0.02
        inp[f"l{l}_bi"] = jnp.zeros((I,), dtype=jnp.float32)
        inp[f"l{l}_Wo"] = jax.random.normal(ks[5 + 2 * l], (I, H), dtype=jnp.float32) * 0.02
        inp[f"l{l}_bo"] = jnp.zeros((H,), dtype=jnp.float32)
        inp[f"l{l}_g"] = jnp.ones((H,), dtype=jnp.float32)
        inp[f"l{l}_b"] = jnp.zeros((H,), dtype=jnp.float32)
    return inp

def reference(input_ids, token_type_ids, word_emb, tok_emb, pos_emb, ln0_g, ln0_b,
              l0_Wi, l0_bi, l0_Wo, l0_bo, l0_g, l0_b,
              l1_Wi, l1_bi, l1_Wo, l1_bo, l1_g, l1_b):
    # BertEmbeddingsLayer: word + token_type + position embeddings, LayerNorm (dropout=0/eval)
    x = jnp.take(word_emb, input_ids, axis=0)
    x = x + jnp.take(tok_emb, token_type_ids, axis=0)
    x = x + pos_emb[None, :, :]
    x = _ln(x, ln0_g, ln0_b)
    # TransformerEncoderLayerWOAttn: per layer FFN (gelu) + residual projection + LayerNorm
    layers = ((l0_Wi, l0_bi, l0_Wo, l0_bo, l0_g, l0_b),
              (l1_Wi, l1_bi, l1_Wo, l1_bo, l1_g, l1_b))
    for (Wi, bi, Wo, bo, g, b) in layers:
        inter = jax.nn.gelu(jnp.einsum('bsh,hi->bsi', x, Wi) + bi)
        out = jnp.einsum('bsi,ih->bsh', inter, Wo) + bo
        x = _ln(out + x, g, b)
    return x

if __name__ == "__main__":
    import jax
    _d = setup_inputs()
    print(jax.jit(kernel)(*tuple(_d.values())))

</pallas_src>

<mosaic_0001>
#map = affine_map<(d0, d1) -> (0, 0)>
#map1 = affine_map<(d0, d1) -> (0, 0, 0)>
module attributes {stable_mosaic.version = 14 : i64} {
  func.func @k(%arg0: i32, %arg1: i32, %arg2: memref<100000x768xf32, #tpu.memory_space<hbm>>, %arg3: memref<32x4x64xi32, #tpu.memory_space<hbm>>, %arg4: memref<8192x768xf32, #tpu.memory_space<hbm>>, %arg5: memref<4x64xi32, #tpu.memory_space<vmem>>, %arg6: memref<64x768xf32, #tpu.memory_space<vmem>>, %arg7: memref<64x768xf32, #tpu.memory_space<vmem>>, %arg8: memref<!tpu.dma_semaphore, #tpu.memory_space<semaphore_mem>>, %arg9: memref<!tpu.dma_semaphore, #tpu.memory_space<semaphore_mem>>) attributes {dimension_semantics = [#tpu.dimension_semantics<core_parallel>, #tpu.dimension_semantics<subcore_parallel>], iteration_bounds = array<i64: 2, 16>, scalar_prefetch = 0 : i64, scratch_operands = 5 : i64, tpu.core_type = #tpu.core_type<sc_vector_subcore>, window_params = [{transform_indices = #map}, {transform_indices = #map1}, {transform_indices = #map}]} {
    %mul3A = arith.constant 2 : i32
    %mul3A_0 = arith.muli %arg1, %mul3A : i32
    %add3A = arith.addi %mul3A_0, %arg0 : i32
    %mul3A_1 = arith.constant 256 : i32
    %mul3A_2 = arith.muli %add3A, %mul3A_1 : i32
    "tpu.region"() ({
      %run_scoped3A = tpu.sem_alloc : memref<!tpu.dma_semaphore, #tpu.memory_space<semaphore_mem>>
      %dma_start3A_65 = arith.constant 0 : i32
      %dma_start3A_66 = arith.constant 0 : i32
      %dma_start3A_67 = tpu.memref_slice %arg3[%add3A, %dma_start3A_65, %dma_start3A_66] : memref<32x4x64xi32, #tpu.memory_space<hbm>> -> memref<1x4x64xi32, #tpu.memory_space<hbm>>
      %dma_start3A_68 = tpu.memref_squeeze %dma_start3A_67 : memref<1x4x64xi32, #tpu.memory_space<hbm>> -> memref<4x64xi32, #tpu.memory_space<hbm>>
      %dma_start3A_69 = arith.constant 0 : i32
      %dma_start3A_70 = arith.constant 0 : i32
      %dma_start3A_71 = tpu.memref_slice %arg3[%add3A, %dma_start3A_69, %dma_start3A_70] : memref<32x4x64xi32, #tpu.memory_space<hbm>> -> memref<1x4x64xi32, #tpu.memory_space<hbm>>
      %dma_start3A_72 = tpu.memref_squeeze %dma_start3A_71 : memref<1x4x64xi32, #tpu.memory_space<hbm>> -> memref<4x64xi32, #tpu.memory_space<hbm>>
      tpu.enqueue_dma source(%dma_start3A_72 : memref<4x64xi32, #tpu.memory_space<hbm>>) target(%arg5 : memref<4x64xi32, #tpu.memory_space<vmem>>) target_semaphore(%run_scoped3A : memref<!tpu.dma_semaphore, #tpu.memory_space<semaphore_mem>>)
      %dma_wait3A_73 = arith.constant 0 : i32
      %dma_wait3A_74 = arith.constant 0 : i32
      %dma_wait3A_75 = tpu.memref_slice %arg3[%add3A, %dma_wait3A_73, %dma_wait3A_74] : memref<32x4x64xi32, #tpu.memory_space<hbm>> -> memref<1x4x64xi32, #tpu.memory_space<hbm>>
      %dma_wait3A_76 = tpu.memref_squeeze %dma_wait3A_75 : memref<1x4x64xi32, #tpu.memory_space<hbm>> -> memref<4x64xi32, #tpu.memory_space<hbm>>
      %dma_wait3A_77 = arith.constant 0 : i32
      %dma_wait3A_78 = arith.constant 0 : i32
      %dma_wait3A_79 = tpu.memref_slice %arg3[%add3A, %dma_wait3A_77, %dma_wait3A_78] : memref<32x4x64xi32, #tpu.memory_space<hbm>> -> memref<1x4x64xi32, #tpu.memory_space<hbm>>
      %dma_wait3A_80 = tpu.memref_squeeze %dma_wait3A_79 : memref<1x4x64xi32, #tpu.memory_space<hbm>> -> memref<4x64xi32, #tpu.memory_space<hbm>>
      tpu.wait_dma2 semaphore(%run_scoped3A : memref<!tpu.dma_semaphore, #tpu.memory_space<semaphore_mem>>) src(%dma_wait3A_80 : memref<4x64xi32, #tpu.memory_space<hbm>>) dst(%arg5 : memref<4x64xi32, #tpu.memory_space<vmem>>)
      tpu.yield
    }) : () -> ()
    %dma_start3A = arith.constant 0 : i32
    %dma_start3A_3 = arith.constant 0 : i32
    %dma_start3A_4 = tpu.memref_slice %arg5[%dma_start3A, %dma_start3A_3] : memref<4x64xi32, #tpu.memory_space<vmem>> -> memref<1x64xi32, #tpu.memory_space<vmem>>
    %dma_start3A_5 = tpu.memref_squeeze %dma_start3A_4 : memref<1x64xi32, #tpu.memory_space<vmem>> -> memref<64xi32, #tpu.memory_space<vmem>>
    %dma_start3A_6 = arith.constant 0 : i32
    %dma_start3A_7 = arith.constant 0 : i32
    %dma_start3A_8 = tpu.memref_slice %arg2[%dma_start3A_6, %dma_start3A_7] : memref<100000x768xf32, #tpu.memory_space<hbm>> -> memref<100000x768xf32, #tpu.memory_space<hbm>>
    tpu.enqueue_indirect_dma source(%dma_start3A_8 : memref<100000x768xf32, #tpu.memory_space<hbm>>) target(%arg6 : memref<64x768xf32, #tpu.memory_space<vmem>>) offsets(%dma_start3A_5 : memref<64xi32, #tpu.memory_space<vmem>>) semaphore(%arg8 : memref<!tpu.dma_semaphore, #tpu.memory_space<semaphore_mem>>)
    %dma_start3A_9 = arith.constant 1 : i32
    %dma_start3A_10 = arith.constant 0 : i32
    %dma_start3A_11 = tpu.memref_slice %arg5[%dma_start3A_9, %dma_start3A_10] : memref<4x64xi32, #tpu.memory_space<vmem>> -> memref<1x64xi32, #tpu.memory_space<vmem>>
    %dma_start3A_12 = tpu.memref_squeeze %dma_start3A_11 : memref<1x64xi32, #tpu.memory_space<vmem>> -> memref<64xi32, #tpu.memory_space<vmem>>
    %dma_start3A_13 = arith.constant 0 : i32
    %dma_start3A_14 = arith.constant 0 : i32
    %dma_start3A_15 = tpu.memref_slice %arg2[%dma_start3A_13, %dma_start3A_14] : memref<100000x768xf32, #tpu.memory_space<hbm>> -> memref<100000x768xf32, #tpu.memory_space<hbm>>
    tpu.enqueue_indirect_dma source(%dma_start3A_15 : memref<100000x768xf32, #tpu.memory_space<hbm>>) target(%arg7 : memref<64x768xf32, #tpu.memory_space<vmem>>) offsets(%dma_start3A_12 : memref<64xi32, #tpu.memory_space<vmem>>) semaphore(%arg9 : memref<!tpu.dma_semaphore, #tpu.memory_space<semaphore_mem>>)
    %dma_wait3A = arith.constant 0 : i32
    %dma_wait3A_16 = arith.constant 0 : i32
    %dma_wait3A_17 = tpu.memref_slice %arg5[%dma_wait3A, %dma_wait3A_16] : memref<4x64xi32, #tpu.memory_space<vmem>> -> memref<1x64xi32, #tpu.memory_space<vmem>>
    %dma_wait3A_18 = tpu.memref_squeeze %dma_wait3A_17 : memref<1x64xi32, #tpu.memory_space<vmem>> -> memref<64xi32, #tpu.memory_space<vmem>>
    %dma_wait3A_19 = arith.constant 0 : i32
    %dma_wait3A_20 = arith.constant 0 : i32
    %dma_wait3A_21 = tpu.memref_slice %arg2[%dma_wait3A_19, %dma_wait3A_20] : memref<100000x768xf32, #tpu.memory_space<hbm>> -> memref<100000x768xf32, #tpu.memory_space<hbm>>
    tpu.wait_indirect_dma semaphore(%arg8 : memref<!tpu.dma_semaphore, #tpu.memory_space<semaphore_mem>>) src(%dma_wait3A_21 : memref<100000x768xf32, #tpu.memory_space<hbm>>) dst(%arg6 : memref<64x768xf32, #tpu.memory_space<vmem>>)
    %add3A_22 = arith.constant 0 : i32
    %add3A_23 = arith.addi %mul3A_2, %add3A_22 : i32
    "tpu.region"() ({
      %run_scoped3A = tpu.sem_alloc : memref<!tpu.dma_semaphore, #tpu.memory_space<semaphore_mem>>
      %dma_start3A_65 = arith.constant 0 : i32
      %dma_start3A_66 = tpu.memref_slice %arg4[%add3A_23, %dma_start3A_65] : memref<8192x768xf32, #tpu.memory_space<hbm>> -> memref<64x768xf32, #tpu.memory_space<hbm>>
      %dma_start3A_67 = arith.constant 0 : i32
      %dma_start3A_68 = tpu.memref_slice %arg4[%add3A_23, %dma_start3A_67] : memref<8192x768xf32, #tpu.memory_space<hbm>> -> memref<64x768xf32, #tpu.memory_space<hbm>>
      tpu.enqueue_dma source(%arg6 : memref<64x768xf32, #tpu.memory_space<vmem>>) target(%dma_start3A_68 : memref<64x768xf32, #tpu.memory_space<hbm>>) target_semaphore(%run_scoped3A : memref<!tpu.dma_semaphore, #tpu.memory_space<semaphore_mem>>)
      %dma_wait3A_69 = arith.constant 0 : i32
      %dma_wait3A_70 = tpu.memref_slice %arg4[%add3A_23, %dma_wait3A_69] : memref<8192x768xf32, #tpu.memory_space<hbm>> -> memref<64x768xf32, #tpu.memory_space<hbm>>
      %dma_wait3A_71 = arith.constant 0 : i32
      %dma_wait3A_72 = tpu.memref_slice %arg4[%add3A_23, %dma_wait3A_71] : memref<8192x768xf32, #tpu.memory_space<hbm>> -> memref<64x768xf32, #tpu.memory_space<hbm>>
      tpu.wait_dma2 semaphore(%run_scoped3A : memref<!tpu.dma_semaphore, #tpu.memory_space<semaphore_mem>>) src(%arg6 : memref<64x768xf32, #tpu.memory_space<vmem>>) dst(%dma_wait3A_72 : memref<64x768xf32, #tpu.memory_space<hbm>>)
      tpu.yield
    }) : () -> ()
    %dma_start3A_24 = arith.constant 2 : i32
    %dma_start3A_25 = arith.constant 0 : i32
    %dma_start3A_26 = tpu.memref_slice %arg5[%dma_start3A_24, %dma_start3A_25] : memref<4x64xi32, #tpu.memory_space<vmem>> -> memref<1x64xi32, #tpu.memory_space<vmem>>
    %dma_start3A_27 = tpu.memref_squeeze %dma_start3A_26 : memref<1x64xi32, #tpu.memory_space<vmem>> -> memref<64xi32, #tpu.memory_space<vmem>>
    %dma_start3A_28 = arith.constant 0 : i32
    %dma_start3A_29 = arith.constant 0 : i32
    %dma_start3A_30 = tpu.memref_slice %arg2[%dma_start3A_28, %dma_start3A_29] : memref<100000x768xf32, #tpu.memory_space<hbm>> -> memref<100000x768xf32, #tpu.memory_space<hbm>>
    tpu.enqueue_indirect_dma source(%dma_start3A_30 : memref<100000x768xf32, #tpu.memory_space<hbm>>) target(%arg6 : memref<64x768xf32, #tpu.memory_space<vmem>>) offsets(%dma_start3A_27 : memref<64xi32, #tpu.memory_space<vmem>>) semaphore(%arg8 : memref<!tpu.dma_semaphore, #tpu.memory_space<semaphore_mem>>)
    %dma_wait3A_31 = arith.constant 1 : i32
    %dma_wait3A_32 = arith.constant 0 : i32
    %dma_wait3A_33 = tpu.memref_slice %arg5[%dma_wait3A_31, %dma_wait3A_32] : memref<4x64xi32, #tpu.memory_space<vmem>> -> memref<1x64xi32, #tpu.memory_space<vmem>>
    %dma_wait3A_34 = tpu.memref_squeeze %dma_wait3A_33 : memref<1x64xi32, #tpu.memory_space<vmem>> -> memref<64xi32, #tpu.memory_space<vmem>>
    %dma_wait3A_35 = arith.constant 0 : i32
    %dma_wait3A_36 = arith.constant 0 : i32
    %dma_wait3A_37 = tpu.memref_slice %arg2[%dma_wait3A_35, %dma_wait3A_36] : memref<100000x768xf32, #tpu.memory_space<hbm>> -> memref<100000x768xf32, #tpu.memory_space<hbm>>
    tpu.wait_indirect_dma semaphore(%arg9 : memref<!tpu.dma_semaphore, #tpu.memory_space<semaphore_mem>>) src(%dma_wait3A_37 : memref<100000x768xf32, #tpu.memory_space<hbm>>) dst(%arg7 : memref<64x768xf32, #tpu.memory_space<vmem>>)
    %add3A_38 = arith.constant 64 : i32
    %add3A_39 = arith.addi %mul3A_2, %add3A_38 : i32
    "tpu.region"() ({
      %run_scoped3A = tpu.sem_alloc : memref<!tpu.dma_semaphore, #tpu.memory_space<semaphore_mem>>
      %dma_start3A_65 = arith.constant 0 : i32
      %dma_start3A_66 = tpu.memref_slice %arg4[%add3A_39, %dma_start3A_65] : memref<8192x768xf32, #tpu.memory_space<hbm>> -> memref<64x768xf32, #tpu.memory_space<hbm>>
      %dma_start3A_67 = arith.constant 0 : i32
      %dma_start3A_68 = tpu.memref_slice %arg4[%add3A_39, %dma_start3A_67] : memref<8192x768xf32, #tpu.memory_space<hbm>> -> memref<64x768xf32, #tpu.memory_space<hbm>>
      tpu.enqueue_dma source(%arg7 : memref<64x768xf32, #tpu.memory_space<vmem>>) target(%dma_start3A_68 : memref<64x768xf32, #tpu.memory_space<hbm>>) target_semaphore(%run_scoped3A : memref<!tpu.dma_semaphore, #tpu.memory_space<semaphore_mem>>)
      %dma_wait3A_69 = arith.constant 0 : i32
      %dma_wait3A_70 = tpu.memref_slice %arg4[%add3A_39, %dma_wait3A_69] : memref<8192x768xf32, #tpu.memory_space<hbm>> -> memref<64x768xf32, #tpu.memory_space<hbm>>
      %dma_wait3A_71 = arith.constant 0 : i32
      %dma_wait3A_72 = tpu.memref_slice %arg4[%add3A_39, %dma_wait3A_71] : memref<8192x768xf32, #tpu.memory_space<hbm>> -> memref<64x768xf32, #tpu.memory_space<hbm>>
      tpu.wait_dma2 semaphore(%run_scoped3A : memref<!tpu.dma_semaphore, #tpu.memory_space<semaphore_mem>>) src(%arg7 : memref<64x768xf32, #tpu.memory_space<vmem>>) dst(%dma_wait3A_72 : memref<64x768xf32, #tpu.memory_space<hbm>>)
      tpu.yield
    }) : () -> ()
    %dma_start3A_40 = arith.constant 3 : i32
    %dma_start3A_41 = arith.constant 0 : i32
    %dma_start3A_42 = tpu.memref_slice %arg5[%dma_start3A_40, %dma_start3A_41] : memref<4x64xi32, #tpu.memory_space<vmem>> -> memref<1x64xi32, #tpu.memory_space<vmem>>
    %dma_start3A_43 = tpu.memref_squeeze %dma_start3A_42 : memref<1x64xi32, #tpu.memory_space<vmem>> -> memref<64xi32, #tpu.memory_space<vmem>>
    %dma_start3A_44 = arith.constant 0 : i32
    %dma_start3A_45 = arith.constant 0 : i32
    %dma_start3A_46 = tpu.memref_slice %arg2[%dma_start3A_44, %dma_start3A_45] : memref<100000x768xf32, #tpu.memory_space<hbm>> -> memref<100000x768xf32, #tpu.memory_space<hbm>>
    tpu.enqueue_indirect_dma source(%dma_start3A_46 : memref<100000x768xf32, #tpu.memory_space<hbm>>) target(%arg7 : memref<64x768xf32, #tpu.memory_space<vmem>>) offsets(%dma_start3A_43 : memref<64xi32, #tpu.memory_space<vmem>>) semaphore(%arg9 : memref<!tpu.dma_semaphore, #tpu.memory_space<semaphore_mem>>)
    %dma_wait3A_47 = arith.constant 2 : i32
    %dma_wait3A_48 = arith.constant 0 : i32
    %dma_wait3A_49 = tpu.memref_slice %arg5[%dma_wait3A_47, %dma_wait3A_48] : memref<4x64xi32, #tpu.memory_space<vmem>> -> memref<1x64xi32, #tpu.memory_space<vmem>>
    %dma_wait3A_50 = tpu.memref_squeeze %dma_wait3A_49 : memref<1x64xi32, #tpu.memory_space<vmem>> -> memref<64xi32, #tpu.memory_space<vmem>>
    %dma_wait3A_51 = arith.constant 0 : i32
    %dma_wait3A_52 = arith.constant 0 : i32
    %dma_wait3A_53 = tpu.memref_slice %arg2[%dma_wait3A_51, %dma_wait3A_52] : memref<100000x768xf32, #tpu.memory_space<hbm>> -> memref<100000x768xf32, #tpu.memory_space<hbm>>
    tpu.wait_indirect_dma semaphore(%arg8 : memref<!tpu.dma_semaphore, #tpu.memory_space<semaphore_mem>>) src(%dma_wait3A_53 : memref<100000x768xf32, #tpu.memory_space<hbm>>) dst(%arg6 : memref<64x768xf32, #tpu.memory_space<vmem>>)
    %add3A_54 = arith.constant 128 : i32
    %add3A_55 = arith.addi %mul3A_2, %add3A_54 : i32
    "tpu.region"() ({
      %run_scoped3A = tpu.sem_alloc : memref<!tpu.dma_semaphore, #tpu.memory_space<semaphore_mem>>
      %dma_start3A_65 = arith.constant 0 : i32
      %dma_start3A_66 = tpu.memref_slice %arg4[%add3A_55, %dma_start3A_65] : memref<8192x768xf32, #tpu.memory_space<hbm>> -> memref<64x768xf32, #tpu.memory_space<hbm>>
      %dma_start3A_67 = arith.constant 0 : i32
      %dma_start3A_68 = tpu.memref_slice %arg4[%add3A_55, %dma_start3A_67] : memref<8192x768xf32, #tpu.memory_space<hbm>> -> memref<64x768xf32, #tpu.memory_space<hbm>>
      tpu.enqueue_dma source(%arg6 : memref<64x768xf32, #tpu.memory_space<vmem>>) target(%dma_start3A_68 : memref<64x768xf32, #tpu.memory_space<hbm>>) target_semaphore(%run_scoped3A : memref<!tpu.dma_semaphore, #tpu.memory_space<semaphore_mem>>)
      %dma_wait3A_69 = arith.constant 0 : i32
      %dma_wait3A_70 = tpu.memref_slice %arg4[%add3A_55, %dma_wait3A_69] : memref<8192x768xf32, #tpu.memory_space<hbm>> -> memref<64x768xf32, #tpu.memory_space<hbm>>
      %dma_wait3A_71 = arith.constant 0 : i32
      %dma_wait3A_72 = tpu.memref_slice %arg4[%add3A_55, %dma_wait3A_71] : memref<8192x768xf32, #tpu.memory_space<hbm>> -> memref<64x768xf32, #tpu.memory_space<hbm>>
      tpu.wait_dma2 semaphore(%run_scoped3A : memref<!tpu.dma_semaphore, #tpu.memory_space<semaphore_mem>>) src(%arg6 : memref<64x768xf32, #tpu.memory_space<vmem>>) dst(%dma_wait3A_72 : memref<64x768xf32, #tpu.memory_space<hbm>>)
      tpu.yield
    }) : () -> ()
    %dma_wait3A_56 = arith.constant 3 : i32
    %dma_wait3A_57 = arith.constant 0 : i32
    %dma_wait3A_58 = tpu.memref_slice %arg5[%dma_wait3A_56, %dma_wait3A_57] : memref<4x64xi32, #tpu.memory_space<vmem>> -> memref<1x64xi32, #tpu.memory_space<vmem>>
    %dma_wait3A_59 = tpu.memref_squeeze %dma_wait3A_58 : memref<1x64xi32, #tpu.memory_space<vmem>> -> memref<64xi32, #tpu.memory_space<vmem>>
    %dma_wait3A_60 = arith.constant 0 : i32
    %dma_wait3A_61 = arith.constant 0 : i32
    %dma_wait3A_62 = tpu.memref_slice %arg2[%dma_wait3A_60, %dma_wait3A_61] : memref<100000x768xf32, #tpu.memory_space<hbm>> -> memref<100000x768xf32, #tpu.memory_space<hbm>>
    tpu.wait_indirect_dma semaphore(%arg9 : memref<!tpu.dma_semaphore, #tpu.memory_space<semaphore_mem>>) src(%dma_wait3A_62 : memref<100000x768xf32, #tpu.memory_space<hbm>>) dst(%arg7 : memref<64x768xf32, #tpu.memory_space<vmem>>)
    %add3A_63 = arith.constant 192 : i32
    %add3A_64 = arith.addi %mul3A_2, %add3A_63 : i32
    "tpu.region"() ({
      %run_scoped3A = tpu.sem_alloc : memref<!tpu.dma_semaphore, #tpu.memory_space<semaphore_mem>>
      %dma_start3A_65 = arith.constant 0 : i32
      %dma_start3A_66 = tpu.memref_slice %arg4[%add3A_64, %dma_start3A_65] : memref<8192x768xf32, #tpu.memory_space<hbm>> -> memref<64x768xf32, #tpu.memory_space<hbm>>
      %dma_start3A_67 = arith.constant 0 : i32
      %dma_start3A_68 = tpu.memref_slice %arg4[%add3A_64, %dma_start3A_67] : memref<8192x768xf32, #tpu.memory_space<hbm>> -> memref<64x768xf32, #tpu.memory_space<hbm>>
      tpu.enqueue_dma source(%arg7 : memref<64x768xf32, #tpu.memory_space<vmem>>) target(%dma_start3A_68 : memref<64x768xf32, #tpu.memory_space<hbm>>) target_semaphore(%run_scoped3A : memref<!tpu.dma_semaphore, #tpu.memory_space<semaphore_mem>>)
      %dma_wait3A_69 = arith.constant 0 : i32
      %dma_wait3A_70 = tpu.memref_slice %arg4[%add3A_64, %dma_wait3A_69] : memref<8192x768xf32, #tpu.memory_space<hbm>> -> memref<64x768xf32, #tpu.memory_space<hbm>>
      %dma_wait3A_71 = arith.constant 0 : i32
      %dma_wait3A_72 = tpu.memref_slice %arg4[%add3A_64, %dma_wait3A_71] : memref<8192x768xf32, #tpu.memory_space<hbm>> -> memref<64x768xf32, #tpu.memory_space<hbm>>
      tpu.wait_dma2 semaphore(%run_scoped3A : memref<!tpu.dma_semaphore, #tpu.memory_space<semaphore_mem>>) src(%arg7 : memref<64x768xf32, #tpu.memory_space<vmem>>) dst(%dma_wait3A_72 : memref<64x768xf32, #tpu.memory_space<hbm>>)
      tpu.yield
    }) : () -> ()
    return
  }
}

module attributes {stable_mosaic.version = 14 : i64} {
  func.func @_tc_body(%arg0: i32, %arg1: memref<1024x768xf32, #tpu.memory_space<vmem>>, %arg2: memref<1024x1xi32, #tpu.memory_space<vmem>>, %arg3: memref<1024x768xbf16, #tpu.memory_space<vmem>>, %arg4: memref<2x768xf32, #tpu.memory_space<vmem>>, %arg5: memref<1x768xf32, #tpu.memory_space<vmem>>, %arg6: memref<1x768xf32, #tpu.memory_space<vmem>>, %arg7: memref<768x3072xf32, #tpu.memory_space<vmem>>, %arg8: memref<1x3072xf32, #tpu.memory_space<vmem>>, %arg9: memref<3072x768xf32, #tpu.memory_space<vmem>>, %arg10: memref<1x768xf32, #tpu.memory_space<vmem>>, %arg11: memref<1x768xf32, #tpu.memory_space<vmem>>, %arg12: memref<1x768xf32, #tpu.memory_space<vmem>>, %arg13: memref<768x3072xf32, #tpu.memory_space<vmem>>, %arg14: memref<1x3072xf32, #tpu.memory_space<vmem>>, %arg15: memref<3072x768xf32, #tpu.memory_space<vmem>>, %arg16: memref<1x768xf32, #tpu.memory_space<vmem>>, %arg17: memref<1x768xf32, #tpu.memory_space<vmem>>, %arg18: memref<1x768xf32, #tpu.memory_space<vmem>>, %arg19: memref<1024x768xf32, #tpu.memory_space<vmem>>) attributes {dimension_semantics = [#tpu.dimension_semantics<arbitrary>], iteration_bounds = array<i64: 8>, scalar_prefetch = 0 : i64, scratch_operands = 0 : i64, tpu.core_type = #tpu.core_type<tc>, window_params = [{transform_indices = @transform_0, window_bounds = array<i64: 1024, 768>}, {transform_indices = @transform_1, window_bounds = array<i64: 1024, 1>}, {transform_indices = @transform_2, window_bounds = array<i64: 1024, 768>}, {pipeline_mode = #tpu.pipeline_mode<synchronous>, transform_indices = @transform_3, window_bounds = array<i64: 2, 768>}, {pipeline_mode = #tpu.pipeline_mode<synchronous>, transform_indices = @transform_4, window_bounds = array<i64: 1, 768>}, {pipeline_mode = #tpu.pipeline_mode<synchronous>, transform_indices = @transform_5, window_bounds = array<i64: 1, 768>}, {pipeline_mode = #tpu.pipeline_mode<synchronous>, transform_indices = @transform_6, window_bounds = array<i64: 768, 3072>}, {pipeline_mode = #tpu.pipeline_mode<synchronous>, transform_indices = @transform_7, window_bounds = array<i64: 1, 3072>}, {pipeline_mode = #tpu.pipeline_mode<synchronous>, transform_indices = @transform_8, window_bounds = array<i64: 3072, 768>}, {pipeline_mode = #tpu.pipeline_mode<synchronous>, transform_indices = @transform_9, window_bounds = array<i64: 1, 768>}, {pipeline_mode = #tpu.pipeline_mode<synchronous>, transform_indices = @transform_10, window_bounds = array<i64: 1, 768>}, {pipeline_mode = #tpu.pipeline_mode<synchronous>, transform_indices = @transform_11, window_bounds = array<i64: 1, 768>}, {pipeline_mode = #tpu.pipeline_mode<synchronous>, transform_indices = @transform_12, window_bounds = array<i64: 768, 3072>}, {pipeline_mode = #tpu.pipeline_mode<synchronous>, transform_indices = @transform_13, window_bounds = array<i64: 1, 3072>}, {pipeline_mode = #tpu.pipeline_mode<synchronous>, transform_indices = @transform_14, window_bounds = array<i64: 3072, 768>}, {pipeline_mode = #tpu.pipeline_mode<synchronous>, transform_indices = @transform_15, window_bounds = array<i64: 1, 768>}, {pipeline_mode = #tpu.pipeline_mode<synchronous>, transform_indices = @transform_16, window_bounds = array<i64: 1, 768>}, {pipeline_mode = #tpu.pipeline_mode<synchronous>, transform_indices = @transform_17, window_bounds = array<i64: 1, 768>}, {transform_indices = @transform_18, window_bounds = array<i64: 1024, 768>}]} {
    %get3A = arith.constant 0 : index
    %get3A_0 = arith.constant 0 : index
    %get3A_1 = vector.load %arg2[%get3A, %get3A_0] : memref<1024x1xi32, #tpu.memory_space<vmem>>, vector<1024x1xi32>
    %convert_element_type3A = arith.sitofp %get3A_1 : vector<1024x1xi32> to vector<1024x1xf32>
    %get3A_2 = arith.constant 0 : index
    %get3A_3 = arith.constant 0 : index
    %get3A_4 = vector.load %arg4[%get3A_2, %get3A_3] : memref<2x768xf32, #tpu.memory_space<vmem>>, vector<1x768xf32>
    %get3A_5 = arith.constant 1 : index
    %get3A_6 = arith.constant 0 : index
    %get3A_7 = vector.load %arg4[%get3A_5, %get3A_6] : memref<2x768xf32, #tpu.memory_space<vmem>>, vector<1x768xf32>
    %get3A_8 = arith.constant 0 : index
    %get3A_9 = arith.constant 0 : index
    %get3A_10 = vector.load %arg1[%get3A_8, %get3A_9] : memref<1024x768xf32, #tpu.memory_space<vmem>>, vector<1024x768xf32>
    %add3A = vector.broadcast %get3A_4 : vector<1x768xf32> to vector<1024x768xf32>
    %add3A_11 = arith.addf %get3A_10, %add3A : vector<1024x768xf32>
    %sub3A = arith.subf %get3A_7, %get3A_4 : vector<1x768xf32>
    %mul3A = vector.broadcast %convert_element_type3A : vector<1024x1xf32> to vector<1024x768xf32>
    %mul3A_12 = vector.broadcast %sub3A : vector<1x768xf32> to vector<1024x768xf32>
    %mul3A_13 = arith.mulf %mul3A, %mul3A_12 : vector<1024x768xf32>
    %add3A_14 = arith.addf %add3A_11, %mul3A_13 : vector<1024x768xf32>
    %get3A_15 = arith.constant 0 : index
    %get3A_16 = arith.constant 0 : index
    %get3A_17 = vector.load %arg3[%get3A_15, %get3A_16] : memref<1024x768xbf16, #tpu.memory_space<vmem>>, vector<1024x768xbf16>
    %convert_element_type3A_18 = arith.extf %get3A_17 : vector<1024x768xbf16> to vector<1024x768xf32>
    %add3A_19 = arith.addf %add3A_14, %convert_element_type3A_18 : vector<1024x768xf32>
    %get3A_20 = arith.constant 0 : index
    %get3A_21 = arith.constant 0 : index
    %get3A_22 = vector.load %arg5[%get3A_20, %get3A_21] : memref<1x768xf32, #tpu.memory_space<vmem>>, vector<1x768xf32>
    %get3A_23 = arith.constant 0 : index
    %get3A_24 = arith.constant 0 : index
    %get3A_25 = vector.load %arg6[%get3A_23, %get3A_24] : memref<1x768xf32, #tpu.memory_space<vmem>>, vector<1x768xf32>
    %reduce_sum3A = arith.constant dense<0.000000e+00> : vector<1024xf32>
    %reduce_sum3A_26 = vector.multi_reduction <add>, %add3A_19, %reduce_sum3A [1] : vector<1024x768xf32> to vector<1024xf32>
    %broadcast_in_dim3A = vector.shape_cast %reduce_sum3A_26 : vector<1024xf32> to vector<1024x1xf32>
    %div3A = arith.constant 7.680000e+02 : f32
    %div3A_27 = vector.broadcast %div3A : f32 to vector<1024x1xf32>
    %div3A_28 = arith.divf %broadcast_in_dim3A, %div3A_27 : vector<1024x1xf32>
    %sub3A_29 = vector.broadcast %div3A_28 : vector<1024x1xf32> to vector<1024x768xf32>
    %sub3A_30 = arith.subf %add3A_19, %sub3A_29 : vector<1024x768xf32>
    %integer_pow3A = arith.mulf %sub3A_30, %sub3A_30 : vector<1024x768xf32>
    %reduce_sum3A_31 = arith.constant dense<0.000000e+00> : vector<1024xf32>
    %reduce_sum3A_32 = vector.multi_reduction <add>, %integer_pow3A, %reduce_sum3A_31 [1] : vector<1024x768xf32> to vector<1024xf32>
    %broadcast_in_dim3A_33 = vector.shape_cast %reduce_sum3A_32 : vector<1024xf32> to vector<1024x1xf32>
    %div3A_34 = arith.constant 7.680000e+02 : f32
    %div3A_35 = vector.broadcast %div3A_34 : f32 to vector<1024x1xf32>
    %div3A_36 = arith.divf %broadcast_in_dim3A_33, %div3A_35 : vector<1024x1xf32>
    %sub3A_37 = vector.broadcast %div3A_28 : vector<1024x1xf32> to vector<1024x768xf32>
    %sub3A_38 = arith.subf %add3A_19, %sub3A_37 : vector<1024x768xf32>
    %add3A_39 = arith.constant 9.99999996E-13 : f32
    %add3A_40 = vector.broadcast %add3A_39 : f32 to vector<1024x1xf32>
    %add3A_41 = arith.addf %div3A_36, %add3A_40 : vector<1024x1xf32>
    %rsqrt3A = math.rsqrt %add3A_41 : vector<1024x1xf32>
    %mul3A_42 = vector.broadcast %rsqrt3A : vector<1024x1xf32> to vector<1024x768xf32>
    %mul3A_43 = arith.mulf %sub3A_38, %mul3A_42 : vector<1024x768xf32>
    %mul3A_44 = vector.broadcast %get3A_22 : vector<1x768xf32> to vector<1024x768xf32>
    %mul3A_45 = arith.mulf %mul3A_43, %mul3A_44 : vector<1024x768xf32>
    %add3A_46 = vector.broadcast %get3A_25 : vector<1x768xf32> to vector<1024x768xf32>
    %add3A_47 = arith.addf %mul3A_45, %add3A_46 : vector<1024x768xf32>
    %get3A_48 = arith.constant 0 : index
    %get3A_49 = arith.constant 0 : index
    %get3A_50 = vector.load %arg7[%get3A_48, %get3A_49] : memref<768x3072xf32, #tpu.memory_space<vmem>>, vector<768x3072xf32>
    %dot_general3A = arith.constant dense<0.000000e+00> : vector<1024x3072xf32>
    %dot_general3A_51 = tpu.matmul %add3A_47, %get3A_50, %dot_general3A {dimension_numbers = #tpu.dot_dimension_numbers<[1], [0], [0], [1], [0, 0, 1, 1], [], []>, transpose_lhs_hint = false} : vector<1024x768xf32>, vector<768x3072xf32>, vector<1024x3072xf32> -> vector<1024x3072xf32>
    %get3A_52 = arith.constant 0 : index
    %get3A_53 = arith.constant 0 : index
    %get3A_54 = vector.load %arg8[%get3A_52, %get3A_53] : memref<1x3072xf32, #tpu.memory_space<vmem>>, vector<1x3072xf32>
    %add3A_55 = vector.broadcast %get3A_54 : vector<1x3072xf32> to vector<1024x3072xf32>
    %add3A_56 = arith.addf %dot_general3A_51, %add3A_55 : vector<1024x3072xf32>
    %convert_element_type3A_57 = arith.truncf %add3A_56 : vector<1024x3072xf32> to vector<1024x3072xbf16>
    %integer_pow3A_58 = arith.mulf %convert_element_type3A_57, %convert_element_type3A_57 : vector<1024x3072xbf16>
    %integer_pow3A_59 = arith.mulf %convert_element_type3A_57, %integer_pow3A_58 : vector<1024x3072xbf16>
    %mul3A_60 = arith.constant 4.467770e-02 : bf16
    %mul3A_61 = vector.broadcast %mul3A_60 : bf16 to vector<1024x3072xbf16>
    %mul3A_62 = arith.mulf %mul3A_61, %integer_pow3A_59 : vector<1024x3072xbf16>
    %add3A_63 = arith.addf %convert_element_type3A_57, %mul3A_62 : vector<1024x3072xbf16>
    %mul3A_64 = arith.constant 7.968750e-01 : bf16
    %mul3A_65 = vector.broadcast %mul3A_64 : bf16 to vector<1024x3072xbf16>
    %mul3A_66 = arith.mulf %mul3A_65, %add3A_63 : vector<1024x3072xbf16>
    %tanh3A = math.tanh %mul3A_66 : vector<1024x3072xbf16>
    %add3A_67 = arith.constant 1.000000e+00 : bf16
    %add3A_68 = vector.broadcast %add3A_67 : bf16 to vector<1024x3072xbf16>
    %add3A_69 = arith.addf %add3A_68, %tanh3A : vector<1024x3072xbf16>
    %mul3A_70 = arith.constant 5.000000e-01 : bf16
    %mul3A_71 = vector.broadcast %mul3A_70 : bf16 to vector<1024x3072xbf16>
    %mul3A_72 = arith.mulf %mul3A_71, %add3A_69 : vector<1024x3072xbf16>
    %mul3A_73 = arith.mulf %convert_element_type3A_57, %mul3A_72 : vector<1024x3072xbf16>
    %get3A_74 = arith.constant 0 : index
    %get3A_75 = arith.constant 0 : index
    %get3A_76 = vector.load %arg9[%get3A_74, %get3A_75] : memref<3072x768xf32, #tpu.memory_space<vmem>>, vector<3072x768xf32>
    %dot_general3A_77 = arith.constant dense<0.000000e+00> : vector<1024x768xf32>
    %dot_general3A_78 = tpu.matmul %mul3A_73, %get3A_76, %dot_general3A_77 {dimension_numbers = #tpu.dot_dimension_numbers<[1], [0], [0], [1], [0, 0, 1, 1], [], []>, transpose_lhs_hint = false} : vector<1024x3072xbf16>, vector<3072x768xf32>, vector<1024x768xf32> -> vector<1024x768xf32>
    %get3A_79 = arith.constant 0 : index
    %get3A_80 = arith.constant 0 : index
    %get3A_81 = vector.load %arg10[%get3A_79, %get3A_80] : memref<1x768xf32, #tpu.memory_space<vmem>>, vector<1x768xf32>
    %add3A_82 = vector.broadcast %get3A_81 : vector<1x768xf32> to vector<1024x768xf32>
    %add3A_83 = arith.addf %dot_general3A_78, %add3A_82 : vector<1024x768xf32>
    %add3A_84 = arith.addf %add3A_83, %add3A_47 : vector<1024x768xf32>
    %get3A_85 = arith.constant 0 : index
    %get3A_86 = arith.constant 0 : index
    %get3A_87 = vector.load %arg11[%get3A_85, %get3A_86] : memref<1x768xf32, #tpu.memory_space<vmem>>, vector<1x768xf32>
    %get3A_88 = arith.constant 0 : index
    %get3A_89 = arith.constant 0 : index
    %get3A_90 = vector.load %arg12[%get3A_88, %get3A_89] : memref<1x768xf32, #tpu.memory_space<vmem>>, vector<1x768xf32>
    %reduce_sum3A_91 = arith.constant dense<0.000000e+00> : vector<1024xf32>
    %reduce_sum3A_92 = vector.multi_reduction <add>, %add3A_84, %reduce_sum3A_91 [1] : vector<1024x768xf32> to vector<1024xf32>
    %broadcast_in_dim3A_93 = vector.shape_cast %reduce_sum3A_92 : vector<1024xf32> to vector<1024x1xf32>
    %div3A_94 = arith.constant 7.680000e+02 : f32
    %div3A_95 = vector.broadcast %div3A_94 : f32 to vector<1024x1xf32>
    %div3A_96 = arith.divf %broadcast_in_dim3A_93, %div3A_95 : vector<1024x1xf32>
    %sub3A_97 = vector.broadcast %div3A_96 : vector<1024x1xf32> to vector<1024x768xf32>
    %sub3A_98 = arith.subf %add3A_84, %sub3A_97 : vector<1024x768xf32>
    %integer_pow3A_99 = arith.mulf %sub3A_98, %sub3A_98 : vector<1024x768xf32>
    %reduce_sum3A_100 = arith.constant dense<0.000000e+00> : vector<1024xf32>
    %reduce_sum3A_101 = vector.multi_reduction <add>, %integer_pow3A_99, %reduce_sum3A_100 [1] : vector<1024x768xf32> to vector<1024xf32>
    %broadcast_in_dim3A_102 = vector.shape_cast %reduce_sum3A_101 : vector<1024xf32> to vector<1024x1xf32>
    %div3A_103 = arith.constant 7.680000e+02 : f32
    %div3A_104 = vector.broadcast %div3A_103 : f32 to vector<1024x1xf32>
    %div3A_105 = arith.divf %broadcast_in_dim3A_102, %div3A_104 : vector<1024x1xf32>
    %sub3A_106 = vector.broadcast %div3A_96 : vector<1024x1xf32> to vector<1024x768xf32>
    %sub3A_107 = arith.subf %add3A_84, %sub3A_106 : vector<1024x768xf32>
    %add3A_108 = arith.constant 9.99999996E-13 : f32
    %add3A_109 = vector.broadcast %add3A_108 : f32 to vector<1024x1xf32>
    %add3A_110 = arith.addf %div3A_105, %add3A_109 : vector<1024x1xf32>
    %rsqrt3A_111 = math.rsqrt %add3A_110 : vector<1024x1xf32>
    %mul3A_112 = vector.broadcast %rsqrt3A_111 : vector<1024x1xf32> to vector<1024x768xf32>
    %mul3A_113 = arith.mulf %sub3A_107, %mul3A_112 : vector<1024x768xf32>
    %mul3A_114 = vector.broadcast %get3A_87 : vector<1x768xf32> to vector<1024x768xf32>
    %mul3A_115 = arith.mulf %mul3A_113, %mul3A_114 : vector<1024x768xf32>
    %add3A_116 = vector.broadcast %get3A_90 : vector<1x768xf32> to vector<1024x768xf32>
    %add3A_117 = arith.addf %mul3A_115, %add3A_116 : vector<1024x768xf32>
    %get3A_118 = arith.constant 0 : index
    %get3A_119 = arith.constant 0 : index
    %get3A_120 = vector.load %arg13[%get3A_118, %get3A_119] : memref<768x3072xf32, #tpu.memory_space<vmem>>, vector<768x3072xf32>
    %dot_general3A_121 = arith.constant dense<0.000000e+00> : vector<1024x3072xf32>
    %dot_general3A_122 = tpu.matmul %add3A_117, %get3A_120, %dot_general3A_121 {dimension_numbers = #tpu.dot_dimension_numbers<[1], [0], [0], [1], [0, 0, 1, 1], [], []>, transpose_lhs_hint = false} : vector<1024x768xf32>, vector<768x3072xf32>, vector<1024x3072xf32> -> vector<1024x3072xf32>
    %get3A_123 = arith.constant 0 : index
    %get3A_124 = arith.constant 0 : index
    %get3A_125 = vector.load %arg14[%get3A_123, %get3A_124] : memref<1x3072xf32, #tpu.memory_space<vmem>>, vector<1x3072xf32>
    %add3A_126 = vector.broadcast %get3A_125 : vector<1x3072xf32> to vector<1024x3072xf32>
    %add3A_127 = arith.addf %dot_general3A_122, %add3A_126 : vector<1024x3072xf32>
    %convert_element_type3A_128 = arith.truncf %add3A_127 : vector<1024x3072xf32> to vector<1024x3072xbf16>
    %integer_pow3A_129 = arith.mulf %convert_element_type3A_128, %convert_element_type3A_128 : vector<1024x3072xbf16>
    %integer_pow3A_130 = arith.mulf %convert_element_type3A_128, %integer_pow3A_129 : vector<1024x3072xbf16>
    %mul3A_131 = arith.constant 4.467770e-02 : bf16
    %mul3A_132 = vector.broadcast %mul3A_131 : bf16 to vector<1024x3072xbf16>
    %mul3A_133 = arith.mulf %mul3A_132, %integer_pow3A_130 : vector<1024x3072xbf16>
    %add3A_134 = arith.addf %convert_element_type3A_128, %mul3A_133 : vector<1024x3072xbf16>
    %mul3A_135 = arith.constant 7.968750e-01 : bf16
    %mul3A_136 = vector.broadcast %mul3A_135 : bf16 to vector<1024x3072xbf16>
    %mul3A_137 = arith.mulf %mul3A_136, %add3A_134 : vector<1024x3072xbf16>
    %tanh3A_138 = math.tanh %mul3A_137 : vector<1024x3072xbf16>
    %add3A_139 = arith.constant 1.000000e+00 : bf16
    %add3A_140 = vector.broadcast %add3A_139 : bf16 to vector<1024x3072xbf16>
    %add3A_141 = arith.addf %add3A_140, %tanh3A_138 : vector<1024x3072xbf16>
    %mul3A_142 = arith.constant 5.000000e-01 : bf16
    %mul3A_143 = vector.broadcast %mul3A_142 : bf16 to vector<1024x3072xbf16>
    %mul3A_144 = arith.mulf %mul3A_143, %add3A_141 : vector<1024x3072xbf16>
    %mul3A_145 = arith.mulf %convert_element_type3A_128, %mul3A_144 : vector<1024x3072xbf16>
    %get3A_146 = arith.constant 0 : index
    %get3A_147 = arith.constant 0 : index
    %get3A_148 = vector.load %arg15[%get3A_146, %get3A_147] : memref<3072x768xf32, #tpu.memory_space<vmem>>, vector<3072x768xf32>
    %dot_general3A_149 = arith.constant dense<0.000000e+00> : vector<1024x768xf32>
    %dot_general3A_150 = tpu.matmul %mul3A_145, %get3A_148, %dot_general3A_149 {dimension_numbers = #tpu.dot_dimension_numbers<[1], [0], [0], [1], [0, 0, 1, 1], [], []>, transpose_lhs_hint = false} : vector<1024x3072xbf16>, vector<3072x768xf32>, vector<1024x768xf32> -> vector<1024x768xf32>
    %get3A_151 = arith.constant 0 : index
    %get3A_152 = arith.constant 0 : index
    %get3A_153 = vector.load %arg16[%get3A_151, %get3A_152] : memref<1x768xf32, #tpu.memory_space<vmem>>, vector<1x768xf32>
    %add3A_154 = vector.broadcast %get3A_153 : vector<1x768xf32> to vector<1024x768xf32>
    %add3A_155 = arith.addf %dot_general3A_150, %add3A_154 : vector<1024x768xf32>
    %add3A_156 = arith.addf %add3A_155, %add3A_117 : vector<1024x768xf32>
    %get3A_157 = arith.constant 0 : index
    %get3A_158 = arith.constant 0 : index
    %get3A_159 = vector.load %arg17[%get3A_157, %get3A_158] : memref<1x768xf32, #tpu.memory_space<vmem>>, vector<1x768xf32>
    %get3A_160 = arith.constant 0 : index
    %get3A_161 = arith.constant 0 : index
    %get3A_162 = vector.load %arg18[%get3A_160, %get3A_161] : memref<1x768xf32, #tpu.memory_space<vmem>>, vector<1x768xf32>
    %reduce_sum3A_163 = arith.constant dense<0.000000e+00> : vector<1024xf32>
    %reduce_sum3A_164 = vector.multi_reduction <add>, %add3A_156, %reduce_sum3A_163 [1] : vector<1024x768xf32> to vector<1024xf32>
    %broadcast_in_dim3A_165 = vector.shape_cast %reduce_sum3A_164 : vector<1024xf32> to vector<1024x1xf32>
    %div3A_166 = arith.constant 7.680000e+02 : f32
    %div3A_167 = vector.broadcast %div3A_166 : f32 to vector<1024x1xf32>
    %div3A_168 = arith.divf %broadcast_in_dim3A_165, %div3A_167 : vector<1024x1xf32>
    %sub3A_169 = vector.broadcast %div3A_168 : vector<1024x1xf32> to vector<1024x768xf32>
    %sub3A_170 = arith.subf %add3A_156, %sub3A_169 : vector<1024x768xf32>
    %integer_pow3A_171 = arith.mulf %sub3A_170, %sub3A_170 : vector<1024x768xf32>
    %reduce_sum3A_172 = arith.constant dense<0.000000e+00> : vector<1024xf32>
    %reduce_sum3A_173 = vector.multi_reduction <add>, %integer_pow3A_171, %reduce_sum3A_172 [1] : vector<1024x768xf32> to vector<1024xf32>
    %broadcast_in_dim3A_174 = vector.shape_cast %reduce_sum3A_173 : vector<1024xf32> to vector<1024x1xf32>
    %div3A_175 = arith.constant 7.680000e+02 : f32
    %div3A_176 = vector.broadcast %div3A_175 : f32 to vector<1024x1xf32>
    %div3A_177 = arith.divf %broadcast_in_dim3A_174, %div3A_176 : vector<1024x1xf32>
    %sub3A_178 = vector.broadcast %div3A_168 : vector<1024x1xf32> to vector<1024x768xf32>
    %sub3A_179 = arith.subf %add3A_156, %sub3A_178 : vector<1024x768xf32>
    %add3A_180 = arith.constant 9.99999996E-13 : f32
    %add3A_181 = vector.broadcast %add3A_180 : f32 to vector<1024x1xf32>
    %add3A_182 = arith.addf %div3A_177, %add3A_181 : vector<1024x1xf32>
    %rsqrt3A_183 = math.rsqrt %add3A_182 : vector<1024x1xf32>
    %mul3A_184 = vector.broadcast %rsqrt3A_183 : vector<1024x1xf32> to vector<1024x768xf32>
    %mul3A_185 = arith.mulf %sub3A_179, %mul3A_184 : vector<1024x768xf32>
    %mul3A_186 = vector.broadcast %get3A_159 : vector<1x768xf32> to vector<1024x768xf32>
    %mul3A_187 = arith.mulf %mul3A_185, %mul3A_186 : vector<1024x768xf32>
    %add3A_188 = vector.broadcast %get3A_162 : vector<1x768xf32> to vector<1024x768xf32>
    %add3A_189 = arith.addf %mul3A_187, %add3A_188 : vector<1024x768xf32>
    %swap3A = arith.constant 0 : index
    %swap3A_190 = arith.constant 0 : index
    %swap3A_191 = vector.load %arg19[%swap3A, %swap3A_190] : memref<1024x768xf32, #tpu.memory_space<vmem>>, vector<1024x768xf32>
    tpu.vector_store %arg19[%swap3A, %swap3A_190], %add3A_189 {strides = array<i32>} : memref<1024x768xf32, #tpu.memory_space<vmem>>, vector<1024x768xf32>,
    return
  }
  func.func @transform_0(%arg0: i32) -> (i32, i32) {
    %c0_i32 = arith.constant 0 : i32
    %c0_i32_0 = arith.constant 0 : i32
    return %arg0, %c0_i32 : i32, i32
  }
  func.func @transform_1(%arg0: i32) -> (i32, i32) {
    %c0_i32 = arith.constant 0 : i32
    %c0_i32_0 = arith.constant 0 : i32
    return %arg0, %c0_i32 : i32, i32
  }
  func.func @transform_2(%arg0: i32) -> (i32, i32) {
    %jit3A = arith.constant 2 : i32
    %eq3A = arith.constant 0 : i32
    %eq3A_0 = arith.cmpi eq, %jit3A, %eq3A : i32
    %jit3A_1 = arith.constant 1 : i32
    %select_n3A = arith.select %eq3A_0, %jit3A_1, %jit3A : i32
    %rem3A = arith.remsi %arg0, %select_n3A : i32
    %ne3A = arith.constant 0 : i32
    %ne3A_2 = arith.cmpi ne, %rem3A, %ne3A : i32
    %lt3A = arith.constant 0 : i32
    %lt3A_3 = arith.cmpi slt, %rem3A, %lt3A : i32
    %lt3A_4 = arith.constant 0 : i32
    %lt3A_5 = arith.cmpi slt, %select_n3A, %lt3A_4 : i32
    %ne3A_6 = arith.xori %lt3A_3, %lt3A_5 : i1
    %and3A = arith.andi %ne3A_6, %ne3A_2 : i1
    %add3A = arith.addi %rem3A, %select_n3A : i32
    %select_n3A_7 = arith.select %and3A, %add3A, %rem3A : i32
    %c0_i32 = arith.constant 0 : i32
    %c0_i32_8 = arith.constant 0 : i32
    return %select_n3A_7, %c0_i32 : i32, i32
  }
  func.func @transform_3(%arg0: i32) -> (i32, i32) {
    %c0_i32 = arith.constant 0 : i32
    %c0_i32_0 = arith.constant 0 : i32
    %c0_i32_1 = arith.constant 0 : i32
    return %c0_i32, %c0_i32_0 : i32, i32
  }
  func.func @transform_4(%arg0: i32) -> (i32, i32) {
    %c0_i32 = arith.constant 0 : i32
    %c0_i32_0 = arith.constant 0 : i32
    %c0_i32_1 = arith.constant 0 : i32
    return %c0_i32, %c0_i32_0 : i32, i32
  }
  func.func @transform_5(%arg0: i32) -> (i32, i32) {
    %c0_i32 = arith.constant 0 : i32
    %c0_i32_0 = arith.constant 0 : i32
    %c0_i32_1 = arith.constant 0 : i32
    return %c0_i32, %c0_i32_0 : i32, i32
  }
  func.func @transform_6(%arg0: i32) -> (i32, i32) {
    %c0_i32 = arith.constant 0 : i32
    %c0_i32_0 = arith.constant 0 : i32
    %c0_i32_1 = arith.constant 0 : i32
    return %c0_i32, %c0_i32_0 : i32, i32
  }
  func.func @transform_7(%arg0: i32) -> (i32, i32) {
    %c0_i32 = arith.constant 0 : i32
    %c0_i32_0 = arith.constant 0 : i32
    %c0_i32_1 = arith.constant 0 : i32
    return %c0_i32, %c0_i32_0 : i32, i32
  }
  func.func @transform_8(%arg0: i32) -> (i32, i32) {
    %c0_i32 = arith.constant 0 : i32
    %c0_i32_0 = arith.constant 0 : i32
    %c0_i32_1 = arith.constant 0 : i32
    return %c0_i32, %c0_i32_0 : i32, i32
  }
  func.func @transform_9(%arg0: i32) -> (i32, i32) {
    %c0_i32 = arith.constant 0 : i32
    %c0_i32_0 = arith.constant 0 : i32
    %c0_i32_1 = arith.constant 0 : i32
    return %c0_i32, %c0_i32_0 : i32, i32
  }
  func.func @transform_10(%arg0: i32) -> (i32, i32) {
    %c0_i32 = arith.constant 0 : i32
    %c0_i32_0 = arith.constant 0 : i32
    %c0_i32_1 = arith.constant 0 : i32
    return %c0_i32, %c0_i32_0 : i32, i32
  }
  func.func @transform_11(%arg0: i32) -> (i32, i32) {
    %c0_i32 = arith.constant 0 : i32
    %c0_i32_0 = arith.constant 0 : i32
    %c0_i32_1 = arith.constant 0 : i32
    return %c0_i32, %c0_i32_0 : i32, i32
  }
  func.func @transform_12(%arg0: i32) -> (i32, i32) {
    %c0_i32 = arith.constant 0 : i32
    %c0_i32_0 = arith.constant 0 : i32
    %c0_i32_1 = arith.constant 0 : i32
    return %c0_i32, %c0_i32_0 : i32, i32
  }
  func.func @transform_13(%arg0: i32) -> (i32, i32) {
    %c0_i32 = arith.constant 0 : i32
    %c0_i32_0 = arith.constant 0 : i32
    %c0_i32_1 = arith.constant 0 : i32
    return %c0_i32, %c0_i32_0 : i32, i32
  }
  func.func @transform_14(%arg0: i32) -> (i32, i32) {
    %c0_i32 = arith.constant 0 : i32
    %c0_i32_0 = arith.constant 0 : i32
    %c0_i32_1 = arith.constant 0 : i32
    return %c0_i32, %c0_i32_0 : i32, i32
  }
  func.func @transform_15(%arg0: i32) -> (i32, i32) {
    %c0_i32 = arith.constant 0 : i32
    %c0_i32_0 = arith.constant 0 : i32
    %c0_i32_1 = arith.constant 0 : i32
    return %c0_i32, %c0_i32_0 : i32, i32
  }
  func.func @transform_16(%arg0: i32) -> (i32, i32) {
    %c0_i32 = arith.constant 0 : i32
    %c0_i32_0 = arith.constant 0 : i32
    %c0_i32_1 = arith.constant 0 : i32
    return %c0_i32, %c0_i32_0 : i32, i32
  }
  func.func @transform_17(%arg0: i32) -> (i32, i32) {
    %c0_i32 = arith.constant 0 : i32
    %c0_i32_0 = arith.constant 0 : i32
    %c0_i32_1 = arith.constant 0 : i32
    return %c0_i32, %c0_i32_0 : i32, i32
  }
  func.func @transform_18(%arg0: i32) -> (i32, i32) {
    %c0_i32 = arith.constant 0 : i32
    %c0_i32_0 = arith.constant 0 : i32
    return %arg0, %c0_i32 : i32, i32
  }
}

</mosaic_0001>

<sc_bundles>
// kernel: kernel.4.cloned.1.call-start
scs
__scs_entry_jumppad:
0x0: {  	(pc) =	sbr.rel $0x88, $3  }
0x1: {  	(tag) =	ssettag $0x0;
	lr =	simm.s32 $0x1  }
0x2: {  	[smem:$0x3F8E] =	sst lr;
	_ =	strace $0xD0000000  }
0x3: {  	_ = 	snop  }
0x4: {  	_ = 	snop  }
0x5: {  	_ = 	snop  }
0x6: {  	_ = 	snop  }
0x7: {  	_ = 	snop  }
__scs_overlays_trampoline_lowered:
0x8: {  	[smem:$0x3F9D] =	sst s0  }
0x9: {  	[smem:$0x3F9E] =	sst s1  }
0xa: {  	[smem:$0x3F9F] =	sst s2  }
0xb: {  	[smem:$0x3FA0] =	sst s3  }
0xc: {  	[smem:$0x3FA1] =	sst s4  }
0xd: {  	[smem:$0x3FA2] =	sst s5  }
0xe: {  	[smem:$0x3FA3] =	sst s6  }
0xf: {  	[smem:$0x3FA4] =	sst s7  }
0x10: {  	[smem:$0x3FA5] =	sst s8  }
0x11: {  	[smem:$0x3FA6] =	sst s9;
	s0 =	simm.s32 @!p0 $0x0  }
0x12: {  	s1 =	sld [smem:$0x3F8C];
	s0 =	simm.s32 @p0 $0x1  }
0x13: {  	[smem:$0x3FA7] =	sst s0;
	s0 =	simm.s32 @!p1 $0x0  }
0x14: {  	s2 =	sld [smem:$0x3F8B];
	s0 =	simm.s32 @p1 $0x1  }
0x15: {  	[smem:$0x3FA8] =	sst s0;
	s0 =	simm.s32 @!p2 $0x0  }
0x16: {  	s3 =	sld [smem:$0x3FDB];
	s0 =	simm.s32 @p2 $0x1  }
0x17: {  	s4 =	simm.s32 $0x1BF5;
	[smem:$0x3FAA] =	sst s0  }
0x18: {  	s0 =	sld [smem:$0x3F8D];
	_ =	swait.ge [sflag:s4], $0x0  }
0x19: {  	s7 =	sld [smem:$0x3F8E]  }
0x1a: {  	s8 =	sadd.s32 $0xFFFFE003, lr  }
0x1b: {  	s9 =	sadd.s32 $0xFFFFFEF7, lr;
	s5 =	simm.s32 $0xFFFFFFFF;
	p2 =	slt.u32 s8, $0xFFFFF086  }
0x1c: {  	p1 =	slt.u32 s9, $0xF7A;
	s5 =	simm.s32 @!p2 $0x0  }
0x1d: {  	s5 =	simm.s32 @p1 $0x1;
	p0 =	seq.s32 s7, s2  }
0x1e: {  	s7 =	smul.u32 @!p0 $0xF7A, s2;
	p2 =	seq.s32 @!p0 s5, $0x0  }
0x1f: {  	s9 =	smul.u32 $0xF7A, s1;
	s8 =	simm.s32 @!p0 $0x1BF5;
	p2 =	por !p2, p0  }
0x20: {  	[sflag:s8] =	ssyncset.s32 @!p0 $0xFFFFF086;
	s6 =	sadd.s32 @!p0 s3, s7;
	s7 =	simm.s32 @!p0 $0x108  }
0x21: {  	s3 =	sadd.s32 s3, s9;
	s6 =	sadd.s32 @!p0 $0x88, s6;
	s7 =	simm.s32 @p2 $0x1082  }
0x22: {  	[simem:s7], [sflag:s8] =	dma.local @!p0 [hbm:s6], $0xF7A  }
0x23: {  	s9 =	sor.u32 $0xD0000000, s2;
	s6 =	simm.s32 $0x108;
	_ =	swait.ge @!p0 [sflag:s8], $0x0  }
0x24: {  	s3 =	sadd.s32 $0x88, s3;
	s6 =	simm.s32 @!p1 $0x1082;
	[sflag:s4] =	ssyncset.s32 $0xFFFFF086  }
0x25: {  	[simem:s6], [sflag:s4] =	dma.local [hbm:s3], $0xF7A  }
0x26: {  	[smem:$0x3F8E] =	sst s1;
	(tag) =	ssettag s2;
	_ =	strace s9  }
0x27: {  	s1 =	sld [smem:$0x3F9E]  }
0x28: {  	s2 =	sld [smem:$0x3F9F]  }
0x29: {  	s4 =	sld [smem:$0x3FA1]  }
0x2a: {  	p0 =	seq.s32 s5, $0x0;
	s5 =	sld [smem:$0x3FA2]  }
0x2b: {  	s6 =	sld [smem:$0x3FA3]  }
0x2c: {  	s7 =	sld [smem:$0x3FA4]  }
0x2d: {  	s3 =	simm.s32 $0x108;
	s8 =	sld [smem:$0x3FA5]  }
0x2e: {  	s3 =	simm.s32 @!p0 $0x1082;
	s9 =	sld [smem:$0x3FA6]  }
0x2f: {  	lr =	sadd.s32 s0, s3;
	s0 =	sld [smem:$0x3F9D]  }
0x30: {  	s3 =	sld [smem:$0x3FA0]  }
0x31: {  	[smem:$0x3FA9] =	sst s10  }
0x32: {  	s10 =	sld [smem:$0x3FA7];
	_ =	sdelay $0x3  }
0x33: {  	p0 =	seq.s32 s10, $0x1;
	s10 =	sld [smem:$0x3FA9];
	_ =	sdelay $0x3  }
0x34: {  	[smem:$0x3FA9] =	sst s10  }
0x35: {  	s10 =	sld [smem:$0x3FA8];
	_ =	sdelay $0x3  }
0x36: {  	p1 =	seq.s32 s10, $0x1;
	s10 =	sld [smem:$0x3FA9];
	_ =	sdelay $0x3  }
0x37: {  	[smem:$0x3FA9] =	sst s10  }
0x38: {  	s10 =	sld [smem:$0x3FAA]  }
0x39: {  	_ = 	snop;
	(pc) =	sbr.ind lr, $3  }
0x3a: {  	_ = 	snop  }
0x3b: {  	_ = 	snop  }
0x3c: {  	p2 =	seq.s32 s10, $0x1;
	s10 =	sld [smem:$0x3FA9]  }
0x3d: {  	_ =	shalt  }
0x3e: {  	_ =	shalt  }
0x3f: {  	_ =	shalt  }
0x40: {  	_ =	shalt  }
0x41: {  	_ =	shalt  }
0x42: {  	_ =	shalt  }
0x43: {  	_ =	shalt  }
0x44: {  	_ =	shalt  }
0x45: {  	_ =	shalt  }
0x46: {  	_ =	shalt  }
0x47: {  	_ =	shalt  }
0x48: {  	_ =	shalt  }
0x49: {  	_ =	shalt  }
0x4a: {  	_ =	shalt  }
0x4b: {  	_ =	shalt  }
0x4c: {  	_ =	shalt  }
0x4d: {  	_ =	shalt  }
0x4e: {  	_ =	shalt  }
0x4f: {  	_ =	shalt  }
0x50: {  	_ =	shalt  }
0x51: {  	_ =	shalt  }
0x52: {  	_ =	shalt  }
0x53: {  	_ =	shalt  }
0x54: {  	_ =	shalt  }
0x55: {  	_ =	shalt  }
0x56: {  	_ =	shalt  }
0x57: {  	_ =	shalt  }
0x58: {  	_ =	shalt  }
0x59: {  	_ =	shalt  }
0x5a: {  	_ =	shalt  }
0x5b: {  	_ =	shalt  }
0x5c: {  	_ =	shalt  }
0x5d: {  	_ =	shalt  }
0x5e: {  	_ =	shalt  }
0x5f: {  	_ =	shalt  }
0x60: {  	_ =	shalt  }
0x61: {  	_ =	shalt  }
0x62: {  	_ =	shalt  }
0x63: {  	_ =	shalt  }
0x64: {  	_ =	shalt  }
0x65: {  	_ =	shalt  }
0x66: {  	_ =	shalt  }
0x67: {  	_ =	shalt  }
0x68: {  	_ =	shalt  }
0x69: {  	_ =	shalt  }
0x6a: {  	_ =	shalt  }
0x6b: {  	_ =	shalt  }
0x6c: {  	_ =	shalt  }
0x6d: {  	_ =	shalt  }
0x6e: {  	_ =	shalt  }
0x6f: {  	_ =	shalt  }
0x70: {  	_ =	shalt  }
0x71: {  	_ =	shalt  }
0x72: {  	_ =	shalt  }
0x73: {  	_ =	shalt  }
0x74: {  	_ =	shalt  }
0x75: {  	_ =	shalt  }
0x76: {  	_ =	shalt  }
0x77: {  	_ =	shalt  }
0x78: {  	_ =	shalt  }
0x79: {  	_ =	shalt  }
0x7a: {  	_ =	shalt  }
0x7b: {  	_ =	shalt  }
0x7c: {  	_ =	shalt  }
0x7d: {  	_ =	shalt  }
0x7e: {  	_ =	shalt  }
0x7f: {  	_ =	shalt  }
0x80: {  	_ =	shalt  }
0x81: {  	_ =	shalt  }
0x82: {  	_ =	shalt  }
0x83: {  	_ =	shalt  }
0x84: {  	_ =	shalt  }
0x85: {  	_ =	shalt  }
0x86: {  	_ =	shalt  }
0x87: {  	_ =	shalt  }
.Lfunc_end0:
.L_simem_size_0:
called_computation_lowered:
.L_overlay_start_0:
0x88: {  	s2 =	sld [smem:$0x3FD9]  }
0x89: {  	s3 =	sld [smem:$0x3FFE];
	_ =	sdelay $0x1  }
0x8a: {  	s1 =	srdreg.scid  }
0x8b: {  	s0 =	sand.u32 $0x1, s1  }
0x8c: {  	s17 =	sshll.u32 s0, $0xA;
	s2 =	sadd.s32 s3, s2  }
0x8d: {  	s2 =	sadd.s32 s2, s17  }
0x8e: {  	[smem:$0x3FB5] =	sst s2  }
0x8f: {  	_ = 	snop  }
0x90: {  	s2 =	sld [smem:$0x3FC7]  }
0x91: {  	s18 =	sld [smem:$0x3FD0];
	(tm) =	ssettm $0x1  }
0x92: {  	s4 =	sld [smem:$0x3FFB];
	_ =	sdelay $0x3  }
0x93: {  	_ =	strace s4  }
0x94: {  	s4 =	sld [smem:$0x3FFC];
	_ =	sdelay $0x3  }
0x95: {  	_ =	strace s4  }
0x96: {  	s4 =	sld [smem:$0x3FFD];
	_ =	sdelay $0x3  }
0x97: {  	_ =	strace s4  }
0x98: {  	_ =	strace $0x8FFFFFFF  }
0x99: {  	s19 =	sld [smem:$0x3FDB];
	_ =	sdelay $0x1  }
0x9a: {  	s5 =	simm.s32 $_scs_section_size  }
0x9b: {  	s6 =	simm.s32 $_size__tile_overlayer_lowered;
	s7 =	simm.s32 $_tile_overlayer_lowered  }
0x9c: {  	s22 =	simm.s32 $0x1BFF;
	s21 =	sshll.u32 s7, $0x1;
	s4 =	sadd.s32 s5, s19  }
0x9d: {  	s8 =	simm.s32 $0x0;
	s20 =	sshll.u32 s6, $0x1;
	s6 =	sadd.s32 s21, s4  }
0x9e: {  	[timem:s8], [sflag:s22] =	dma.local [hbm:s6], s20  }
0x9f: {  	_ =	swait.ge [sflag:s22], s20  }
0xa0: {  	s5 =	ssub.s32 $0x0, s20;
	[sflag:s22] =	ssyncset.done $0x0  }
0xa1: {  	[sflag:s22] =	ssyncadd.s32 s5;
	_ =	sdelay $0x1  }
0xa2: {  	s23 =	simm.s32 $0x1B8B  }
0xa3: {  	_ =	swait.ge [sflag:s23], $0x1  }
0xa4: {  	[sflag:s23] =	ssyncset.done $0x0  }
0xa5: {  	s25 =	simm.s32 $0x1B8E;
	s24 =	sld [smem:$0x3FFE];
	[sflag:s23] =	ssyncadd.s32 $0xFFFFFFFF  }
0xa6: {  	s26 =	simm.s32 $execute0_lowered;
	[smem:$0x3FD2] =	sst s25  }
0xa7: {  	s6 =	sshll.u32 s26, $0x1;
	_ =	strace $0x80000046;
	[dreg:$0x1] =	wrdreg $0xFFFFFFFF  }
0xa8: {  	s28 =	simm.s32 $_size_execute0_lowered;
	s4 =	sadd.s32 s4, s6;
	[dreg:$0x0] =	wrdreg $0x0  }
0xa9: {  	s6 =	sshll.u32 s28, $0x1;
	[dreg:$0x2] =	wrdreg s4  }
0xaa: {  	[dreg:$0x3] =	wrdreg s6  }
0xab: {  	[dreg:$0x4] =	wrdreg $0xC0  }
0xac: {  	_ =	task [dreg:s8], $0x5FFFF  }
0xad: {  	[dreg:$0x1] =	wrdreg $0xFFFFFFFF  }
0xae: {  	[dreg:$0x0] =	wrdreg $0x60  }
0xaf: {  	[dreg:$0x2] =	wrdreg s2  }
0xb0: {  	[dreg:$0x3] =	wrdreg s18  }
0xb1: {  	[dreg:$0x4] =	wrdreg s24  }
0xb2: {  	[dreg:$0x5] =	wrdreg $0x9  }
0xb3: {  	_ =	task.clear_ibuf [dreg:s8], $0x6FFFF;
	_ =	strace $0x90000046  }
0xb4: {  	s29 =	simm.s32 $0x9;
	_ =	strace $0x80000048  }
0xb5: {  	_ =	swait.ge [sflag:s29], $0x1  }
0xb6: {  	[sflag:s29] =	ssyncadd.s32 $0xFFFFFFFF  }
0xb7: {  	_ =	strace $0x90000048  }
0xb8: {  	_ =	sfence  }
0xb9: {  	s30 =	sld [smem:$0x0];
	_ =	sdelay $0x2  }
0xba: {  	s31 =	sshll.u32 s1, $0xD;
	s1 =	sshrl.u32 s1, $0x2  }
0xbb: {  	s3 =	sand.u32 $0x4000, s31;
	s1 =	sadd.s32 s1, s30  }
0xbc: {  	s0 =	sor.u32 s3, s0;
	s1 =	sshll.u32 s1, $0x11  }
0xbd: {  	s0 =	sor.u32 s1, s0  }
0xbe: {  	s0 =	sadd.s32 $0x8F2B, s0  }
0xbf: {  	[sflag:s0] =	ssyncadd.remote.s32 $0x1  }
0xc0: {  	_ =	sfence.sel $0xFFFF  }
0xc1: {  	[dreg:$0x0] =	wrdreg $0xFFFFFFFF;
	(pc) =	sbr.abs _section_cstart, $3  }
0xc2: {  	[dreg:$0x1] =	wrdreg $0xFFFFFFFF  }
0xc3: {  	_ =	task.clear_ibuf [dreg:s8], $0x2FFFF;
	_ =	strace $0x9FFFFFFF  }
0xc4: {  	(tm) =	ssettm $0x7FFFFFFF  }
0xc5: {  	_ =	shalt  }
tec
execute0_lowered:
.L_overlay_start_1:
0x0: {  	(tag) =	ssettag $0x1  }
0x1: {  	s1 =	rddreg [dreg:$0x0]  }
0x2: {  	s0 =	rddreg [dreg:$0x1]  }
0x3: {  	s2 =	srdreg.scid;
	s3 =	stileid.u32  }
0x4: {  	s4 =	rddreg [dreg:$0x2];
	s13 =	simm.s32 $0xA00;
	s14 =	simm.s32 $0x1200  }
0x5: {  	s15 =	simm.s32 $0x1A00;
	s16 =	simm.s32 $0x2200;
	s17 =	simm.s32 $0x2A00  }
0x6: {  	s18 =	simm.s32 $0x3200;
	s19 =	simm.s32 $0x3A00;
	s20 =	simm.s32 $0x4200  }
0x7: {  	s21 =	simm.s32 $0x4A00;
	s22 =	simm.s32 $0x5200;
	s28 =	simm.s32 $0x7A00  }
0x8: {  	s29 =	simm.s32 $0x8200;
	s30 =	simm.s32 $0x8A00;
	s31 =	simm.s32 $0x9200  }
0x9: {  	s9 =	simm.s32 $0xAA00;
	s10 =	simm.s32 $0xBA00;
	s11 =	simm.s32 $0xC200  }
0xa: {  	s2 =	sand.u32 $0x1, s2;
	s5 =	sshll.u32 s3, $0x1;
	s3 =	simm.s32 $0x0  }
0xb: {  	s4 =	sadd.s32 $0x1800, s4;
	s5 =	sor.u32 s2, s5;
	[smem:$0x7FF] =	sst s3  }
0xc: {  	s2 =	ssub.s32 $0x2, s2;
	s6 =	smul.u32 $0x6000, s5;
	_ =	strace $0x80000047  }
0xd: {  	s7 =	smul.u32 $0x30000, s5;
	s8 =	sshrl.u32 s2, $0x1;
	s5 =	sshll.u32 s5, $0x6  }
0xe: {  	s0 =	sadd.s32 s0, s5;
	s2 =	ssub.s32 s2, s8;
	s5 =	sadd.s32 $0x100, s1  }
0xf: {  	s8 =	simm.s32 $0x3;
	s6 =	sadd.s32 s4, s6;
	[dreg:$0x4] =	wrdreg s0  }
0x10: {  	s23 =	sshrl.u32 s7, $0x3;
	[dreg:$0x8] =	wrdreg s6;
	s24 =	sadd.s32 $0x1800, s6  }
0x11: {  	s4 =	sadd.s32 s4, s23;
	s6 =	sadd.s32 $0x200, s1;
	s23 =	simm.s32 $0x5A00  }
0x12: {  	v2 =	vlaneseq.u32;
	[dreg:$0x5] =	wrdreg s24;
	s25 =	sadd.s32 $0x3000, s4;
	s26 =	sadd.s32 $0x4800, s4  }
0x13: {  	vm0 =	vmmov $0xffff;
	v1 =	vshrl.u32 v2, $0x3;
	s4 =	smax.u32 s2, $0x1;
	s24 =	simm.s32 $0x6200;
	[dreg:$0x6] =	wrdreg s25  }
0x14: {  	v0 =	vand.u32 $0x7, v2;
	v2 =	vor.u32 $0x8, v2;
	v1 =	vmul.u32 $0x8, v1;
	[dreg:$0x7] =	wrdreg s26;
	s25 =	simm.s32 $0x6A00;
	s26 =	simm.s32 $0x7200  }
.LBB2_1:
0x15: {  	s12 =	rddreg [dreg:$0x4]  }
0x16: {  	[tilespmem:s3], [sflag:$0x3] =	stream.linear.gather [hbm4b:s12+s3], $0x200, $0x38;
	[tilespmem:$0x18200] =	vst v63  }
0x17: {  	_ =	swait.ge [sflag:s8], $0x200  }
0x18: {  	[sflag:s8] =	ssyncset.done $0x0  }
0x19: {  	[sflag:s8] =	ssyncadd.s32 $0xFFFFFE00  }
0x1a: {  	v3 =	vld [tilespmem:$0x0];
	_ =	sdelay $0x4  }
0x1b: {  	v4 =	vshrl.u32 v3, $0x3  }
0x1c: {  	v4 =	vmul.u32 $0x30, v4  }
0x1d: {  	v3 =	vand.u32 $0x7, v3  }
0x1e: {  	v3 =	vor.u32 v3, v4  }
0x1f: {  	v4 =	vperm.xlane v3, v0;
	_ =	sdelay $0x1  }
0x20: {  	v4 =	vadd.s32 v1, v4;
	_ =	sdelay $0x3  }
0x21: {  	s0 =	simm.s32 $0x200;
	v3 =	vperm.xlane v3, v2  }
0x22: {  	[tilespmem:s0], [sflag:$0x1] =	stream.indirect_vreg.gather [hbm4b:s1+s3], $0x80, v4, vm0, $0xb8;
	[tilespmem:$0x18200] =	vst v63  }
0x23: {  	v3 =	vadd.s32 v1, v3  }
0x24: {  	[tilespmem:s13], [sflag:$0x1] =	stream.indirect_vreg.gather [hbm4b:s5+s3], $0x80, v4, vm0, $0xb8;
	[tilespmem:$0x18200] =	vst v63  }
0x25: {  	_ = 	snop  }
0x26: {  	[tilespmem:s14], [sflag:$0x1] =	stream.indirect_vreg.gather [hbm4b:s6+s3], $0x80, v4, vm0, $0xb8;
	[tilespmem:$0x18200] =	vst v63  }
0x27: {  	_ = 	snop  }
0x28: {  	[tilespmem:s15], [sflag:$0x1] =	stream.indirect_vreg.gather [hbm4b:s1+s3], $0x80, v3, vm0, $0xb8;
	[tilespmem:$0x18200] =	vst v63  }
0x29: {  	_ = 	snop  }
0x2a: {  	[tilespmem:s16], [sflag:$0x1] =	stream.indirect_vreg.gather [hbm4b:s5+s3], $0x80, v3, vm0, $0xb8;
	[tilespmem:$0x18200] =	vst v63  }
0x2b: {  	_ = 	snop  }
0x2c: {  	[tilespmem:s17], [sflag:$0x1] =	stream.indirect_vreg.gather [hbm4b:s6+s3], $0x80, v3, vm0, $0xb8;
	[tilespmem:$0x18200] =	vst v63  }
0x2d: {  	v3 =	vld [tilespmem:$0x10];
	_ =	sdelay $0x4  }
0x2e: {  	v49 =	vshrl.u32 v3, $0x3  }
0x2f: {  	v4 =	vmul.u32 $0x30, v49  }
0x30: {  	v3 =	vand.u32 $0x7, v3  }
0x31: {  	v3 =	vor.u32 v3, v4  }
0x32: {  	v4 =	vperm.xlane v3, v0;
	_ =	sdelay $0x1  }
0x33: {  	v4 =	vadd.s32 v1, v4;
	_ =	sdelay $0x3  }
0x34: {  	v3 =	vperm.xlane v3, v2  }
0x35: {  	[tilespmem:s18], [sflag:$0x1] =	stream.indirect_vreg.gather [hbm4b:s1+s3], $0x80, v4, vm0, $0xb8;
	[tilespmem:$0x18200] =	vst v63  }
0x36: {  	v3 =	vadd.s32 v1, v3  }
0x37: {  	[tilespmem:s19], [sflag:$0x1] =	stream.indirect_vreg.gather [hbm4b:s5+s3], $0x80, v4, vm0, $0xb8;
	[tilespmem:$0x18200] =	vst v63  }
0x38: {  	_ = 	snop  }
0x39: {  	[tilespmem:s20], [sflag:$0x1] =	stream.indirect_vreg.gather [hbm4b:s6+s3], $0x80, v4, vm0, $0xb8;
	[tilespmem:$0x18200] =	vst v63  }
0x3a: {  	_ = 	snop  }
0x3b: {  	[tilespmem:s21], [sflag:$0x1] =	stream.indirect_vreg.gather [hbm4b:s1+s3], $0x80, v3, vm0, $0xb8;
	[tilespmem:$0x18200] =	vst v63  }
0x3c: {  	_ = 	snop  }
0x3d: {  	[tilespmem:s22], [sflag:$0x1] =	stream.indirect_vreg.gather [hbm4b:s5+s3], $0x80, v3, vm0, $0xb8;
	[tilespmem:$0x18200] =	vst v63  }
0x3e: {  	_ = 	snop  }
0x3f: {  	[tilespmem:s23], [sflag:$0x1] =	stream.indirect_vreg.gather [hbm4b:s6+s3], $0x80, v3, vm0, $0xb8;
	[tilespmem:$0x18200] =	vst v63  }
0x40: {  	v3 =	vld [tilespmem:$0x20];
	_ =	sdelay $0x4  }
0x41: {  	v50 =	vshrl.u32 v3, $0x3  }
0x42: {  	v4 =	vmul.u32 $0x30, v50  }
0x43: {  	v3 =	vand.u32 $0x7, v3  }
0x44: {  	v3 =	vor.u32 v3, v4  }
0x45: {  	v4 =	vperm.xlane v3, v0;
	_ =	sdelay $0x1  }
0x46: {  	v4 =	vadd.s32 v1, v4;
	_ =	sdelay $0x3  }
0x47: {  	v3 =	vperm.xlane v3, v2  }
0x48: {  	[tilespmem:s24], [sflag:$0x1] =	stream.indirect_vreg.gather [hbm4b:s1+s3], $0x80, v4, vm0, $0xb8;
	[tilespmem:$0x18200] =	vst v63  }
0x49: {  	v3 =	vadd.s32 v1, v3  }
0x4a: {  	[tilespmem:s25], [sflag:$0x1] =	stream.indirect_vreg.gather [hbm4b:s5+s3], $0x80, v4, vm0, $0xb8;
	[tilespmem:$0x18200] =	vst v63  }
0x4b: {  	_ = 	snop  }
0x4c: {  	[tilespmem:s26], [sflag:$0x1] =	stream.indirect_vreg.gather [hbm4b:s6+s3], $0x80, v4, vm0, $0xb8;
	[tilespmem:$0x18200] =	vst v63  }
0x4d: {  	_ = 	snop  }
0x4e: {  	[tilespmem:s28], [sflag:$0x1] =	stream.indirect_vreg.gather [hbm4b:s1+s3], $0x80, v3, vm0, $0xb8;
	[tilespmem:$0x18200] =	vst v63  }
0x4f: {  	_ = 	snop  }
0x50: {  	[tilespmem:s29], [sflag:$0x1] =	stream.indirect_vreg.gather [hbm4b:s5+s3], $0x80, v3, vm0, $0xb8;
	[tilespmem:$0x18200] =	vst v63  }
0x51: {  	_ = 	snop  }
0x52: {  	[tilespmem:s30], [sflag:$0x1] =	stream.indirect_vreg.gather [hbm4b:s6+s3], $0x80, v3, vm0, $0xb8;
	[tilespmem:$0x18200] =	vst v63  }
0x53: {  	v3 =	vld [tilespmem:$0x30];
	_ =	sdelay $0x4  }
0x54: {  	v51 =	vshrl.u32 v3, $0x3  }
0x55: {  	v4 =	vmul.u32 $0x30, v51  }
0x56: {  	v3 =	vand.u32 $0x7, v3  }
0x57: {  	v3 =	vor.u32 v3, v4  }
0x58: {  	v4 =	vperm.xlane v3, v0;
	_ =	sdelay $0x1  }
0x59: {  	v4 =	vadd.s32 v1, v4;
	_ =	sdelay $0x3  }
0x5a: {  	v3 =	vperm.xlane v3, v2  }
0x5b: {  	[tilespmem:s31], [sflag:$0x1] =	stream.indirect_vreg.gather [hbm4b:s1+s3], $0x80, v4, vm0, $0xb8;
	[tilespmem:$0x18200] =	vst v63  }
0x5c: {  	s2 =	simm.s32 $0x9A00;
	v3 =	vadd.s32 v1, v3  }
0x5d: {  	[tilespmem:s2], [sflag:$0x1] =	stream.indirect_vreg.gather [hbm4b:s5+s3], $0x80, v4, vm0, $0xb8;
	[tilespmem:$0x18200] =	vst v63  }
0x5e: {  	s12 =	simm.s32 $0xA200  }
0x5f: {  	[tilespmem:s12], [sflag:$0x1] =	stream.indirect_vreg.gather [hbm4b:s6+s3], $0x80, v4, vm0, $0xb8;
	[tilespmem:$0x18200] =	vst v63  }
0x60: {  	_ = 	snop  }
0x61: {  	[tilespmem:s9], [sflag:$0x1] =	stream.indirect_vreg.gather [hbm4b:s1+s3], $0x80, v3, vm0, $0xb8;
	[tilespmem:$0x18200] =	vst v63  }
0x62: {  	s7 =	simm.s32 $0xB200  }
0x63: {  	[tilespmem:s7], [sflag:$0x1] =	stream.indirect_vreg.gather [hbm4b:s5+s3], $0x80, v3, vm0, $0xb8;
	[tilespmem:$0x18200] =	vst v63  }
0x64: {  	_ = 	snop  }
0x65: {  	[tilespmem:s10], [sflag:$0x1] =	stream.indirect_vreg.gather [hbm4b:s6+s3], $0x80, v3, vm0, $0xb8;
	[tilespmem:$0x18200] =	vst v63  }
0x66: {  	v3 =	vld [tilespmem:$0x80];
	_ =	sdelay $0x4  }
0x67: {  	v52 =	vshrl.u32 v3, $0x3  }
0x68: {  	v4 =	vmul.u32 $0x30, v52  }
0x69: {  	v3 =	vand.u32 $0x7, v3  }
0x6a: {  	v3 =	vor.u32 v3, v4  }
0x6b: {  	v4 =	vperm.xlane v3, v0;
	_ =	sdelay $0x1  }
0x6c: {  	v4 =	vadd.s32 v1, v4;
	_ =	sdelay $0x3  }
0x6d: {  	v3 =	vperm.xlane v3, v2  }
0x6e: {  	[tilespmem:s11], [sflag:$0x2] =	stream.indirect_vreg.gather [hbm4b:s1+s3], $0x80, v4, vm0, $0xb8;
	[tilespmem:$0x18200] =	vst v63  }
0x6f: {  	s12 =	simm.s32 $0xCA00;
	v3 =	vadd.s32 v1, v3  }
0x70: {  	[tilespmem:s12], [sflag:$0x2] =	stream.indirect_vreg.gather [hbm4b:s5+s3], $0x80, v4, vm0, $0xb8;
	[tilespmem:$0x18200] =	vst v63  }
0x71: {  	s7 =	simm.s32 $0xD200  }
0x72: {  	[tilespmem:s7], [sflag:$0x2] =	stream.indirect_vreg.gather [hbm4b:s6+s3], $0x80, v4, vm0, $0xb8;
	[tilespmem:$0x18200] =	vst v63  }
0x73: {  	s12 =	simm.s32 $0xDA00  }
0x74: {  	[tilespmem:s12], [sflag:$0x2] =	stream.indirect_vreg.gather [hbm4b:s1+s3], $0x80, v3, vm0, $0xb8;
	[tilespmem:$0x18200] =	vst v63  }
0x75: {  	s7 =	simm.s32 $0xE200  }
0x76: {  	[tilespmem:s7], [sflag:$0x2] =	stream.indirect_vreg.gather [hbm4b:s5+s3], $0x80, v3, vm0, $0xb8;
	[tilespmem:$0x18200] =	vst v63  }
0x77: {  	s12 =	simm.s32 $0xEA00  }
0x78: {  	[tilespmem:s12], [sflag:$0x2] =	stream.indirect_vreg.gather [hbm4b:s6+s3], $0x80, v3, vm0, $0xb8;
	[tilespmem:$0x18200] =	vst v63  }
0x79: {  	v3 =	vld [tilespmem:$0x90];
	_ =	sdelay $0x4  }
0x7a: {  	v53 =	vshrl.u32 v3, $0x3  }
0x7b: {  	v4 =	vmul.u32 $0x30, v53  }
0x7c: {  	v3 =	vand.u32 $0x7, v3  }
0x7d: {  	v3 =	vor.u32 v3, v4  }
0x7e: {  	v4 =	vperm.xlane v3, v0;
	_ =	sdelay $0x1  }
0x7f: {  	v4 =	vadd.s32 v1, v4;
	_ =	sdelay $0x3  }
0x80: {  	s7 =	simm.s32 $0xF200;
	v3 =	vperm.xlane v3, v2  }
0x81: {  	[tilespmem:s7], [sflag:$0x2] =	stream.indirect_vreg.gather [hbm4b:s1+s3], $0x80, v4, vm0, $0xb8;
	[tilespmem:$0x18200] =	vst v63  }
0x82: {  	s12 =	simm.s32 $0xFA00;
	v3 =	vadd.s32 v1, v3  }
0x83: {  	[tilespmem:s12], [sflag:$0x2] =	stream.indirect_vreg.gather [hbm4b:s5+s3], $0x80, v4, vm0, $0xb8;
	[tilespmem:$0x18200] =	vst v63  }
0x84: {  	s7 =	simm.s32 $0x10200  }
0x85: {  	[tilespmem:s7], [sflag:$0x2] =	stream.indirect_vreg.gather [hbm4b:s6+s3], $0x80, v4, vm0, $0xb8;
	[tilespmem:$0x18200] =	vst v63  }
0x86: {  	s12 =	simm.s32 $0x10A00  }
0x87: {  	[tilespmem:s12], [sflag:$0x2] =	stream.indirect_vreg.gather [hbm4b:s1+s3], $0x80, v3, vm0, $0xb8;
	[tilespmem:$0x18200] =	vst v63  }
0x88: {  	s7 =	simm.s32 $0x11200  }
0x89: {  	[tilespmem:s7], [sflag:$0x2] =	stream.indirect_vreg.gather [hbm4b:s5+s3], $0x80, v3, vm0, $0xb8;
	[tilespmem:$0x18200] =	vst v63  }
0x8a: {  	s12 =	simm.s32 $0x11A00  }
0x8b: {  	[tilespmem:s12], [sflag:$0x2] =	stream.indirect_vreg.gather [hbm4b:s6+s3], $0x80, v3, vm0, $0xb8;
	[tilespmem:$0x18200] =	vst v63  }
0x8c: {  	v3 =	vld [tilespmem:$0xA0];
	_ =	sdelay $0x4  }
0x8d: {  	v54 =	vshrl.u32 v3, $0x3  }
0x8e: {  	v4 =	vmul.u32 $0x30, v54  }
0x8f: {  	v3 =	vand.u32 $0x7, v3  }
0x90: {  	v3 =	vor.u32 v3, v4  }
0x91: {  	v4 =	vperm.xlane v3, v0;
	_ =	sdelay $0x1  }
0x92: {  	v4 =	vadd.s32 v1, v4;
	_ =	sdelay $0x3  }
0x93: {  	s7 =	simm.s32 $0x12200;
	v3 =	vperm.xlane v3, v2  }
0x94: {  	[tilespmem:s7], [sflag:$0x2] =	stream.indirect_vreg.gather [hbm4b:s1+s3], $0x80, v4, vm0, $0xb8;
	[tilespmem:$0x18200] =	vst v63  }
0x95: {  	s12 =	simm.s32 $0x12A00;
	v3 =	vadd.s32 v1, v3  }
0x96: {  	[tilespmem:s12], [sflag:$0x2] =	stream.indirect_vreg.gather [hbm4b:s5+s3], $0x80, v4, vm0, $0xb8;
	[tilespmem:$0x18200] =	vst v63  }
0x97: {  	s7 =	simm.s32 $0x13200  }
0x98: {  	[tilespmem:s7], [sflag:$0x2] =	stream.indirect_vreg.gather [hbm4b:s6+s3], $0x80, v4, vm0, $0xb8;
	[tilespmem:$0x18200] =	vst v63  }
0x99: {  	s12 =	simm.s32 $0x13A00  }
0x9a: {  	[tilespmem:s12], [sflag:$0x2] =	stream.indirect_vreg.gather [hbm4b:s1+s3], $0x80, v3, vm0, $0xb8;
	[tilespmem:$0x18200] =	vst v63  }
0x9b: {  	s7 =	simm.s32 $0x14200  }
0x9c: {  	[tilespmem:s7], [sflag:$0x2] =	stream.indirect_vreg.gather [hbm4b:s5+s3], $0x80, v3, vm0, $0xb8;
	[tilespmem:$0x18200] =	vst v63  }
0x9d: {  	s12 =	simm.s32 $0x14A00  }
0x9e: {  	[tilespmem:s12], [sflag:$0x2] =	stream.indirect_vreg.gather [hbm4b:s6+s3], $0x80, v3, vm0, $0xb8;
	[tilespmem:$0x18200] =	vst v63  }
0x9f: {  	v3 =	vld [tilespmem:$0xB0];
	_ =	sdelay $0x4  }
0xa0: {  	v55 =	vshrl.u32 v3, $0x3  }
0xa1: {  	v4 =	vmul.u32 $0x30, v55  }
0xa2: {  	v3 =	vand.u32 $0x7, v3  }
0xa3: {  	v3 =	vor.u32 v3, v4  }
0xa4: {  	v4 =	vperm.xlane v3, v0;
	_ =	sdelay $0x1  }
0xa5: {  	v4 =	vadd.s32 v1, v4;
	_ =	sdelay $0x3  }
0xa6: {  	s7 =	simm.s32 $0x15200;
	v3 =	vperm.xlane v3, v2  }
0xa7: {  	[tilespmem:s7], [sflag:$0x2] =	stream.indirect_vreg.gather [hbm4b:s1+s3], $0x80, v4, vm0, $0xb8;
	[tilespmem:$0x18200] =	vst v63  }
0xa8: {  	s12 =	simm.s32 $0x15A00;
	v3 =	vadd.s32 v1, v3  }
0xa9: {  	[tilespmem:s12], [sflag:$0x2] =	stream.indirect_vreg.gather [hbm4b:s5+s3], $0x80, v4, vm0, $0xb8;
	[tilespmem:$0x18200] =	vst v63  }
0xaa: {  	s7 =	simm.s32 $0x16200  }
0xab: {  	[tilespmem:s7], [sflag:$0x2] =	stream.indirect_vreg.gather [hbm4b:s6+s3], $0x80, v4, vm0, $0xb8;
	[tilespmem:$0x18200] =	vst v63  }
0xac: {  	s12 =	simm.s32 $0x16A00  }
0xad: {  	[tilespmem:s12], [sflag:$0x2] =	stream.indirect_vreg.gather [hbm4b:s1+s3], $0x80, v3, vm0, $0xb8;
	[tilespmem:$0x18200] =	vst v63  }
0xae: {  	s7 =	simm.s32 $0x17200  }
0xaf: {  	[tilespmem:s7], [sflag:$0x2] =	stream.indirect_vreg.gather [hbm4b:s5+s3], $0x80, v3, vm0, $0xb8;
	[tilespmem:$0x18200] =	vst v63  }
0xb0: {  	s0 =	simm.s32 $0x1;
	s12 =	simm.s32 $0x17A00  }
0xb1: {  	[tilespmem:s12], [sflag:$0x2] =	stream.indirect_vreg.gather [hbm4b:s6+s3], $0x80, v3, vm0, $0xb8;
	[tilespmem:$0x18200] =	vst v63  }
0xb2: {  	_ =	swait.ge [sflag:s0], $0xC000  }
0xb3: {  	[sflag:s0] =	ssyncset.done $0x0  }
0xb4: {  	s7 =	simm.s32 $0x200;
	s12 =	rddreg [dreg:$0x8];
	[sflag:s0] =	ssyncadd.s32 $0xFFFF4000  }
0xb5: {  	[hbm4b:s12+s3] =	stream.linear.scatter [tilespmem:s7], [sflag:$0x3], $0xC000, $0x38;
	[tilespmem:$0x18200] =	vst v63  }
0xb6: {  	_ =	swait.ge [sflag:s8], $0xC000  }
0xb7: {  	[sflag:s8] =	ssyncset.done $0x0  }
0xb8: {  	[sflag:s8] =	ssyncadd.s32 $0xFFFF4000  }
0xb9: {  	v3 =	vld [tilespmem:$0x100];
	_ =	sdelay $0x4  }
0xba: {  	v56 =	vshrl.u32 v3, $0x3  }
0xbb: {  	v4 =	vmul.u32 $0x30, v56  }
0xbc: {  	v3 =	vand.u32 $0x7, v3  }
0xbd: {  	v3 =	vor.u32 v3, v4  }
0xbe: {  	v4 =	vperm.xlane v3, v0;
	_ =	sdelay $0x1  }
0xbf: {  	v4 =	vadd.s32 v1, v4;
	_ =	sdelay $0x3  }
0xc0: {  	v3 =	vperm.xlane v3, v2  }
0xc1: {  	[tilespmem:s7], [sflag:$0x1] =	stream.indirect_vreg.gather [hbm4b:s1+s3], $0x80, v4, vm0, $0xb8;
	[tilespmem:$0x18200] =	vst v63  }
0xc2: {  	v3 =	vadd.s32 v1, v3  }
0xc3: {  	[tilespmem:s13], [sflag:$0x1] =	stream.indirect_vreg.gather [hbm4b:s5+s3], $0x80, v4, vm0, $0xb8;
	[tilespmem:$0x18200] =	vst v63  }
0xc4: {  	_ = 	snop  }
0xc5: {  	[tilespmem:s14], [sflag:$0x1] =	stream.indirect_vreg.gather [hbm4b:s6+s3], $0x80, v4, vm0, $0xb8;
	[tilespmem:$0x18200] =	vst v63  }
0xc6: {  	_ = 	snop  }
0xc7: {  	[tilespmem:s15], [sflag:$0x1] =	stream.indirect_vreg.gather [hbm4b:s1+s3], $0x80, v3, vm0, $0xb8;
	[tilespmem:$0x18200] =	vst v63  }
0xc8: {  	_ = 	snop  }
0xc9: {  	[tilespmem:s16], [sflag:$0x1] =	stream.indirect_vreg.gather [hbm4b:s5+s3], $0x80, v3, vm0, $0xb8;
	[tilespmem:$0x18200] =	vst v63  }
0xca: {  	_ = 	snop  }
0xcb: {  	[tilespmem:s17], [sflag:$0x1] =	stream.indirect_vreg.gather [hbm4b:s6+s3], $0x80, v3, vm0, $0xb8;
	[tilespmem:$0x18200] =	vst v63  }
0xcc: {  	v3 =	vld [tilespmem:$0x110];
	_ =	sdelay $0x4  }
0xcd: {  	v57 =	vshrl.u32 v3, $0x3  }
0xce: {  	v4 =	vmul.u32 $0x30, v57  }
0xcf: {  	v3 =	vand.u32 $0x7, v3  }
0xd0: {  	v3 =	vor.u32 v3, v4  }
0xd1: {  	v4 =	vperm.xlane v3, v0;
	_ =	sdelay $0x1  }
0xd2: {  	v4 =	vadd.s32 v1, v4;
	_ =	sdelay $0x3  }
0xd3: {  	v3 =	vperm.xlane v3, v2  }
0xd4: {  	[tilespmem:s18], [sflag:$0x1] =	stream.indirect_vreg.gather [hbm4b:s1+s3], $0x80, v4, vm0, $0xb8;
	[tilespmem:$0x18200] =	vst v63  }
0xd5: {  	v3 =	vadd.s32 v1, v3  }
0xd6: {  	[tilespmem:s19], [sflag:$0x1] =	stream.indirect_vreg.gather [hbm4b:s5+s3], $0x80, v4, vm0, $0xb8;
	[tilespmem:$0x18200] =	vst v63  }
0xd7: {  	_ = 	snop  }
0xd8: {  	[tilespmem:s20], [sflag:$0x1] =	stream.indirect_vreg.gather [hbm4b:s6+s3], $0x80, v4, vm0, $0xb8;
	[tilespmem:$0x18200] =	vst v63  }
0xd9: {  	_ = 	snop  }
0xda: {  	[tilespmem:s21], [sflag:$0x1] =	stream.indirect_vreg.gather [hbm4b:s1+s3], $0x80, v3, vm0, $0xb8;
	[tilespmem:$0x18200] =	vst v63  }
0xdb: {  	_ = 	snop  }
0xdc: {  	[tilespmem:s22], [sflag:$0x1] =	stream.indirect_vreg.gather [hbm4b:s5+s3], $0x80, v3, vm0, $0xb8;
	[tilespmem:$0x18200] =	vst v63  }
0xdd: {  	_ = 	snop  }
0xde: {  	[tilespmem:s23], [sflag:$0x1] =	stream.indirect_vreg.gather [hbm4b:s6+s3], $0x80, v3, vm0, $0xb8;
	[tilespmem:$0x18200] =	vst v63  }
0xdf: {  	v3 =	vld [tilespmem:$0x120];
	_ =	sdelay $0x4  }
0xe0: {  	v58 =	vshrl.u32 v3, $0x3  }
0xe1: {  	v4 =	vmul.u32 $0x30, v58  }
0xe2: {  	v3 =	vand.u32 $0x7, v3  }
0xe3: {  	v3 =	vor.u32 v3, v4  }
0xe4: {  	v4 =	vperm.xlane v3, v0;
	_ =	sdelay $0x1  }
0xe5: {  	v4 =	vadd.s32 v1, v4;
	_ =	sdelay $0x3  }
0xe6: {  	v3 =	vperm.xlane v3, v2  }
0xe7: {  	[tilespmem:s24], [sflag:$0x1] =	stream.indirect_vreg.gather [hbm4b:s1+s3], $0x80, v4, vm0, $0xb8;
	[tilespmem:$0x18200] =	vst v63  }
0xe8: {  	v3 =	vadd.s32 v1, v3  }
0xe9: {  	[tilespmem:s25], [sflag:$0x1] =	stream.indirect_vreg.gather [hbm4b:s5+s3], $0x80, v4, vm0, $0xb8;
	[tilespmem:$0x18200] =	vst v63  }
0xea: {  	_ = 	snop  }
0xeb: {  	[tilespmem:s26], [sflag:$0x1] =	stream.indirect_vreg.gather [hbm4b:s6+s3], $0x80, v4, vm0, $0xb8;
	[tilespmem:$0x18200] =	vst v63  }
0xec: {  	_ = 	snop  }
0xed: {  	[tilespmem:s28], [sflag:$0x1] =	stream.indirect_vreg.gather [hbm4b:s1+s3], $0x80, v3, vm0, $0xb8;
	[tilespmem:$0x18200] =	vst v63  }
0xee: {  	_ = 	snop  }
0xef: {  	[tilespmem:s29], [sflag:$0x1] =	stream.indirect_vreg.gather [hbm4b:s5+s3], $0x80, v3, vm0, $0xb8;
	[tilespmem:$0x18200] =	vst v63  }
0xf0: {  	_ = 	snop  }
0xf1: {  	[tilespmem:s30], [sflag:$0x1] =	stream.indirect_vreg.gather [hbm4b:s6+s3], $0x80, v3, vm0, $0xb8;
	[tilespmem:$0x18200] =	vst v63  }
0xf2: {  	v3 =	vld [tilespmem:$0x130];
	_ =	sdelay $0x4  }
0xf3: {  	v59 =	vshrl.u32 v3, $0x3  }
0xf4: {  	v4 =	vmul.u32 $0x30, v59  }
0xf5: {  	v3 =	vand.u32 $0x7, v3  }
0xf6: {  	v3 =	vor.u32 v3, v4  }
0xf7: {  	v4 =	vperm.xlane v3, v0;
	_ =	sdelay $0x1  }
0xf8: {  	v4 =	vadd.s32 v1, v4;
	_ =	sdelay $0x3  }
0xf9: {  	v3 =	vperm.xlane v3, v2  }
0xfa: {  	[tilespmem:s31], [sflag:$0x1] =	stream.indirect_vreg.gather [hbm4b:s1+s3], $0x80, v4, vm0, $0xb8;
	[tilespmem:$0x18200] =	vst v63  }
0xfb: {  	v3 =	vadd.s32 v1, v3  }
0xfc: {  	[tilespmem:s2], [sflag:$0x1] =	stream.indirect_vreg.gather [hbm4b:s5+s3], $0x80, v4, vm0, $0xb8;
	[tilespmem:$0x18200] =	vst v63  }
0xfd: {  	s7 =	simm.s32 $0xA200  }
0xfe: {  	[tilespmem:s7], [sflag:$0x1] =	stream.indirect_vreg.gather [hbm4b:s6+s3], $0x80, v4, vm0, $0xb8;
	[tilespmem:$0x18200] =	vst v63  }
0xff: {  	_ = 	snop  }
0x100: {  	[tilespmem:s9], [sflag:$0x1] =	stream.indirect_vreg.gather [hbm4b:s1+s3], $0x80, v3, vm0, $0xb8;
	[tilespmem:$0x18200] =	vst v63  }
0x101: {  	s12 =	simm.s32 $0xB200  }
0x102: {  	[tilespmem:s12], [sflag:$0x1] =	stream.indirect_vreg.gather [hbm4b:s5+s3], $0x80, v3, vm0, $0xb8;
	[tilespmem:$0x18200] =	vst v63  }
0x103: {  	s2 =	simm.s32 $0x2  }
0x104: {  	[tilespmem:s10], [sflag:$0x1] =	stream.indirect_vreg.gather [hbm4b:s6+s3], $0x80, v3, vm0, $0xb8;
	[tilespmem:$0x18200] =	vst v63  }
0x105: {  	_ =	swait.ge [sflag:s2], $0xC000  }
0x106: {  	[sflag:s2] =	ssyncset.done $0x0  }
0x107: {  	s7 =	rddreg [dreg:$0x5];
	[sflag:s2] =	ssyncadd.s32 $0xFFFF4000  }
0x108: {  	[hbm4b:s7+s3] =	stream.linear.scatter [tilespmem:s11], [sflag:$0x3], $0xC000, $0x38;
	[tilespmem:$0x18200] =	vst v63  }
0x109: {  	_ =	swait.ge [sflag:s8], $0xC000  }
0x10a: {  	[sflag:s8] =	ssyncset.done $0x0  }
0x10b: {  	[sflag:s8] =	ssyncadd.s32 $0xFFFF4000  }
0x10c: {  	v3 =	vld [tilespmem:$0x180];
	_ =	sdelay $0x4  }
0x10d: {  	v60 =	vshrl.u32 v3, $0x3  }
0x10e: {  	v4 =	vmul.u32 $0x30, v60  }
0x10f: {  	v3 =	vand.u32 $0x7, v3  }
0x110: {  	v3 =	vor.u32 v3, v4  }
0x111: {  	v4 =	vperm.xlane v3, v0;
	_ =	sdelay $0x1  }
0x112: {  	v4 =	vadd.s32 v1, v4;
	_ =	sdelay $0x3  }
0x113: {  	v3 =	vperm.xlane v3, v2  }
0x114: {  	[tilespmem:s11], [sflag:$0x2] =	stream.indirect_vreg.gather [hbm4b:s1+s3], $0x80, v4, vm0, $0xb8;
	[tilespmem:$0x18200] =	vst v63  }
0x115: {  	s12 =	simm.s32 $0xCA00;
	v3 =	vadd.s32 v1, v3  }
0x116: {  	[tilespmem:s12], [sflag:$0x2] =	stream.indirect_vreg.gather [hbm4b:s5+s3], $0x80, v4, vm0, $0xb8;
	[tilespmem:$0x18200] =	vst v63  }
0x117: {  	s12 =	simm.s32 $0xD200  }
0x118: {  	[tilespmem:s12], [sflag:$0x2] =	stream.indirect_vreg.gather [hbm4b:s6+s3], $0x80, v4, vm0, $0xb8;
	[tilespmem:$0x18200] =	vst v63  }
0x119: {  	s12 =	simm.s32 $0xDA00  }
0x11a: {  	[tilespmem:s12], [sflag:$0x2] =	stream.indirect_vreg.gather [hbm4b:s1+s3], $0x80, v3, vm0, $0xb8;
	[tilespmem:$0x18200] =	vst v63  }
0x11b: {  	s12 =	simm.s32 $0xE200  }
0x11c: {  	[tilespmem:s12], [sflag:$0x2] =	stream.indirect_vreg.gather [hbm4b:s5+s3], $0x80, v3, vm0, $0xb8;
	[tilespmem:$0x18200] =	vst v63  }
0x11d: {  	s12 =	simm.s32 $0xEA00  }
0x11e: {  	[tilespmem:s12], [sflag:$0x2] =	stream.indirect_vreg.gather [hbm4b:s6+s3], $0x80, v3, vm0, $0xb8;
	[tilespmem:$0x18200] =	vst v63  }
0x11f: {  	v3 =	vld [tilespmem:$0x190];
	_ =	sdelay $0x4  }
0x120: {  	v61 =	vshrl.u32 v3, $0x3  }
0x121: {  	v4 =	vmul.u32 $0x30, v61  }
0x122: {  	v3 =	vand.u32 $0x7, v3  }
0x123: {  	v3 =	vor.u32 v3, v4  }
0x124: {  	v4 =	vperm.xlane v3, v0;
	_ =	sdelay $0x1  }
0x125: {  	v4 =	vadd.s32 v1, v4;
	_ =	sdelay $0x3  }
0x126: {  	s12 =	simm.s32 $0xF200;
	v3 =	vperm.xlane v3, v2  }
0x127: {  	[tilespmem:s12], [sflag:$0x2] =	stream.indirect_vreg.gather [hbm4b:s1+s3], $0x80, v4, vm0, $0xb8;
	[tilespmem:$0x18200] =	vst v63  }
0x128: {  	v3 =	vadd.s32 v1, v3;
	s12 =	simm.s32 $0xFA00  }
0x129: {  	[tilespmem:s12], [sflag:$0x2] =	stream.indirect_vreg.gather [hbm4b:s5+s3], $0x80, v4, vm0, $0xb8;
	[tilespmem:$0x18200] =	vst v63  }
0x12a: {  	s12 =	simm.s32 $0x10200  }
0x12b: {  	[tilespmem:s12], [sflag:$0x2] =	stream.indirect_vreg.gather [hbm4b:s6+s3], $0x80, v4, vm0, $0xb8;
	[tilespmem:$0x18200] =	vst v63  }
0x12c: {  	s12 =	simm.s32 $0x10A00  }
0x12d: {  	[tilespmem:s12], [sflag:$0x2] =	stream.indirect_vreg.gather [hbm4b:s1+s3], $0x80, v3, vm0, $0xb8;
	[tilespmem:$0x18200] =	vst v63  }
0x12e: {  	s12 =	simm.s32 $0x11200  }
0x12f: {  	[tilespmem:s12], [sflag:$0x2] =	stream.indirect_vreg.gather [hbm4b:s5+s3], $0x80, v3, vm0, $0xb8;
	[tilespmem:$0x18200] =	vst v63  }
0x130: {  	s12 =	simm.s32 $0x11A00  }
0x131: {  	[tilespmem:s12], [sflag:$0x2] =	stream.indirect_vreg.gather [hbm4b:s6+s3], $0x80, v3, vm0, $0xb8;
	[tilespmem:$0x18200] =	vst v63  }
0x132: {  	v3 =	vld [tilespmem:$0x1A0];
	_ =	sdelay $0x4  }
0x133: {  	v62 =	vshrl.u32 v3, $0x3  }
0x134: {  	v4 =	vmul.u32 $0x30, v62  }
0x135: {  	v3 =	vand.u32 $0x7, v3  }
0x136: {  	v3 =	vor.u32 v3, v4  }
0x137: {  	v4 =	vperm.xlane v3, v0;
	_ =	sdelay $0x1  }
0x138: {  	v4 =	vadd.s32 v1, v4;
	_ =	sdelay $0x3  }
0x139: {  	s12 =	simm.s32 $0x12200;
	v3 =	vperm.xlane v3, v2  }
0x13a: {  	[tilespmem:s12], [sflag:$0x2] =	stream.indirect_vreg.gather [hbm4b:s1+s3], $0x80, v4, vm0, $0xb8;
	[tilespmem:$0x18200] =	vst v63  }
0x13b: {  	v3 =	vadd.s32 v1, v3;
	s12 =	simm.s32 $0x12A00  }
0x13c: {  	[tilespmem:s12], [sflag:$0x2] =	stream.indirect_vreg.gather [hbm4b:s5+s3], $0x80, v4, vm0, $0xb8;
	[tilespmem:$0x18200] =	vst v63  }
0x13d: {  	s12 =	simm.s32 $0x13200  }
0x13e: {  	[tilespmem:s12], [sflag:$0x2] =	stream.indirect_vreg.gather [hbm4b:s6+s3], $0x80, v4, vm0, $0xb8;
	[tilespmem:$0x18200] =	vst v63  }
0x13f: {  	s12 =	simm.s32 $0x13A00  }
0x140: {  	[tilespmem:s12], [sflag:$0x2] =	stream.indirect_vreg.gather [hbm4b:s1+s3], $0x80, v3, vm0, $0xb8;
	[tilespmem:$0x18200] =	vst v63  }
0x141: {  	s12 =	simm.s32 $0x14200  }
0x142: {  	[tilespmem:s12], [sflag:$0x2] =	stream.indirect_vreg.gather [hbm4b:s5+s3], $0x80, v3, vm0, $0xb8;
	[tilespmem:$0x18200] =	vst v63  }
0x143: {  	s12 =	simm.s32 $0x14A00  }
0x144: {  	[tilespmem:s12], [sflag:$0x2] =	stream.indirect_vreg.gather [hbm4b:s6+s3], $0x80, v3, vm0, $0xb8;
	[tilespmem:$0x18200] =	vst v63  }
0x145: {  	v3 =	vld [tilespmem:$0x1B0];
	_ =	sdelay $0x4  }
0x146: {  	v63 =	vshrl.u32 v3, $0x3  }
0x147: {  	v4 =	vmul.u32 $0x30, v63  }
0x148: {  	v3 =	vand.u32 $0x7, v3  }
0x149: {  	v3 =	vor.u32 v3, v4  }
0x14a: {  	v4 =	vperm.xlane v3, v0;
	_ =	sdelay $0x1  }
0x14b: {  	v4 =	vadd.s32 v1, v4;
	_ =	sdelay $0x3  }
0x14c: {  	s12 =	simm.s32 $0x15200;
	v3 =	vperm.xlane v3, v2  }
0x14d: {  	[tilespmem:s12], [sflag:$0x2] =	stream.indirect_vreg.gather [hbm4b:s1+s3], $0x80, v4, vm0, $0xb8;
	[tilespmem:$0x18200] =	vst v63  }
0x14e: {  	v3 =	vadd.s32 v1, v3;
	s12 =	simm.s32 $0x15A00  }
0x14f: {  	[tilespmem:s12], [sflag:$0x2] =	stream.indirect_vreg.gather [hbm4b:s5+s3], $0x80, v4, vm0, $0xb8;
	[tilespmem:$0x18200] =	vst v63  }
0x150: {  	s12 =	simm.s32 $0x16200  }
0x151: {  	[tilespmem:s12], [sflag:$0x2] =	stream.indirect_vreg.gather [hbm4b:s6+s3], $0x80, v4, vm0, $0xb8;
	[tilespmem:$0x18200] =	vst v63  }
0x152: {  	s12 =	simm.s32 $0x16A00  }
0x153: {  	[tilespmem:s12], [sflag:$0x2] =	stream.indirect_vreg.gather [hbm4b:s1+s3], $0x80, v3, vm0, $0xb8;
	[tilespmem:$0x18200] =	vst v63  }
0x154: {  	s12 =	simm.s32 $0x17200  }
0x155: {  	[tilespmem:s12], [sflag:$0x2] =	stream.indirect_vreg.gather [hbm4b:s5+s3], $0x80, v3, vm0, $0xb8;
	[tilespmem:$0x18200] =	vst v63  }
0x156: {  	s12 =	simm.s32 $0x17A00  }
0x157: {  	[tilespmem:s12], [sflag:$0x2] =	stream.indirect_vreg.gather [hbm4b:s6+s3], $0x80, v3, vm0, $0xb8;
	[tilespmem:$0x18200] =	vst v63  }
0x158: {  	_ =	swait.ge [sflag:s0], $0xC000  }
0x159: {  	[sflag:s0] =	ssyncset.done $0x0  }
0x15a: {  	s7 =	simm.s32 $0x200;
	s12 =	rddreg [dreg:$0x6];
	[sflag:s0] =	ssyncadd.s32 $0xFFFF4000  }
0x15b: {  	[hbm4b:s12+s3] =	stream.linear.scatter [tilespmem:s7], [sflag:$0x3], $0xC000, $0x38;
	[tilespmem:$0x18200] =	vst v63  }
0x15c: {  	_ =	swait.ge [sflag:s8], $0xC000  }
0x15d: {  	[sflag:s8] =	ssyncset.done $0x0  }
0x15e: {  	[sflag:s8] =	ssyncadd.s32 $0xFFFF4000  }
0x15f: {  	_ =	swait.ge [sflag:s2], $0xC000  }
0x160: {  	p0 =	sne.s32 s4, $0x1;
	[sflag:s2] =	ssyncset.done $0x0  }
.Ltmp0:
0x161: {  	s7 =	rddreg [dreg:$0x7];
	[sflag:s2] =	ssyncadd.s32 $0xFFFF4000;
	(pc) =	sbr.rel @p0 .LBB2_1-.Ltmp0, $4  }
0x162: {  	[hbm4b:s7+s3] =	stream.linear.scatter [tilespmem:s11], [sflag:$0x3], $0xC000, $0x38;
	[tilespmem:$0x18200] =	vst v63  }
0x163: {  	_ =	swait.ge [sflag:s8], $0xC000  }
0x164: {  	[sflag:s8] =	ssyncset.done $0x0  }
0x165: {  	s4 =	sadd.s32 $0xFFFFFFFF, s4;
	[sflag:s8] =	ssyncadd.s32 $0xFFFF4000  }
0x166: {  	_ =	sfence.sel $0x180000  }
0x167: {  	[bflag:$0x0] =	sbarrier.arrive $0xFFFF  }
0x168: {  	_ =	strace $0x90000047  }
0x169: {  	s0 =	stileid.u32;
	[bflag:$0x2] =	sbarrier.arrive $0xFFFF  }
0x16a: {  	p0 =	sne.s32 s0, $0x0;
	s0 =	rddreg [dreg:$0x3]  }
0x16b: {  	s0 =	sadd.s32 @!p0 $0x100000, s0  }
0x16c: {  	[sflag:s0] =	ssyncadd.tile.s32 @!p0 $0x1;
	_ =	shalt  }
.Lfunc_end2:
_tile_overlayer_lowered:
.L_overlay_start_2:
0x16d: {  	(tag) =	ssettag $0x2  }
0x16e: {  	s0 =	rddreg [dreg:$0x0];
	s2 =	stileid.u32  }
0x16f: {  	s1 =	rddreg [dreg:$0x1];
	p0 =	sne.s32 s2, $0x0  }
0x170: {  	s3 =	rddreg [dreg:$0x2];
	[bflag:$0x3] =	sbarrier.arrive $0xFFFF;
	s2 =	simm.s32 @!p0 $0x1C03  }
0x171: {  	[timem:s3], [sflag:s2] =	dma.local @!p0 [hbm:s0], s1  }
0x172: {  	s0 =	simm.s32 @!p0 $0x3  }
0x173: {  	_ =	swait.ge @!p0 [sflag:s0], s1  }
0x174: {  	s1 =	ssub.s32 @!p0 $0x0, s1;
	[sflag:s0] =	ssyncset.done @!p0 $0x0  }
0x175: {  	[sflag:s0] =	ssyncadd.s32 @!p0 s1  }
0x176: {  	[bflag:$0x3] =	sbarrier.arrive $0xFFFF  }
0x177: {  	_ =	shalt  }

</sc_bundles>
